<compile_context>
chip_gen: v7x
topology: tpu7x:2x2x1
jax: 0.10.2.dev20260603
libtpu: 0.0.44.dev20260713+nightly
codegen_flags: <defaults>
</compile_context>

<pallas_src>
import numpy as np
import jax
import jax.numpy as jnp
from jax.experimental import pallas as pl
from jax.experimental.pallas import tpu as pltpu

_B, _N, _D = 256, 2048, 64
_NL = _N // 128
_PK = 128 * _D
_BG = 4

_S_SEL = np.asarray(
    np.arange(128)[:, None] == (np.arange(_PK)[None, :] // _D), np.float32)


def _slots_kernel(um_ref, rm_ref, fm_ref, uvec_ref, wvec_ref, e_ref,
                  idx_ref, wm_ref, s_ref, out_ref, stats_ref):
    i = pl.program_id(0)
    nsteps = pl.num_programs(0)

    e = e_ref[...]
    umf = um_ref[...].astype(jnp.float32)
    rmf = rm_ref[...].astype(jnp.float32)
    fmf = fm_ref[...].astype(jnp.float32)
    wmf = wm_ref[...]

    row = jax.lax.broadcasted_iota(jnp.int32, (_NL, 128), 0)
    col = jax.lax.broadcasted_iota(jnp.int32, (_NL, 128), 1)
    slot = row * 128 + col

    aw_parts = []
    for g in range(_BG):
        tgt_g = jnp.clip(idx_ref[g, 0], 0, _N - 1)
        aw_parts.append((slot == tgt_g).astype(jnp.float32) * wmf[g, 0])
    a_w = jnp.concatenate(aw_parts, axis=0)
    c_h = umf * (1.0 - a_w)

    s_mat = s_ref[...]
    coeffs = jnp.concatenate([c_h, a_w], axis=0).astype(jnp.bfloat16)
    p = jnp.dot(coeffs, s_mat, preferred_element_type=jnp.float32)

    for g in range(_BG):
        d_h = pltpu.repeat(0.5 * uvec_ref[g:g + 1, :] - 0.5 * e, 128, axis=1)
        d_w = pltpu.repeat(wvec_ref[g:g + 1, :] - e, 128, axis=1)
        erep = pltpu.repeat(e, 128, axis=1)
        p_h = p[g * _NL:(g + 1) * _NL, :]
        p_w = p[(_BG + g) * _NL:(_BG + g + 1) * _NL, :]
        out_ref[g * _NL:(g + 1) * _NL, :] = erep + p_h * d_h + p_w * d_w

    orf = jnp.maximum(umf, rmf)
    s_alive = jnp.sum(orf) + jnp.sum(a_w * (1.0 - orf))
    s_upd = jnp.sum(umf)
    s_fgt = jnp.sum(fmf)
    s_wm = jnp.sum(wmf)

    lane = jax.lax.broadcasted_iota(jnp.int32, (1, 128), 1)
    partial = (jnp.where(lane == 0, s_alive, 0.0)
               + jnp.where(lane == 2, s_wm, 0.0)
               + jnp.where(lane == 3, s_upd, 0.0)
               + jnp.where(lane == 4, s_fgt, 0.0))

    @pl.when(i == 0)
    def _init():
        stats_ref[...] = jnp.zeros_like(stats_ref)

    stats_ref[...] += partial

    @pl.when(i == nsteps - 1)
    def _finalize():
        scale = (jnp.where(lane == 0, 1.0 / (_B * _N), 0.0)
                 + jnp.where(lane == 2, 1.0 / _B, 0.0)
                 + jnp.where(lane == 3, 1.0 / (_B * _N), 0.0)
                 + jnp.where(lane == 4, 1.0 / (_B * _N), 0.0))
        stats_ref[...] = stats_ref[...] * scale


def kernel(empty, update_vec, write_vec, retain_mask, update_mask,
           forget_mask, write_mask, overwrite_idx):
    e2d = empty.reshape(1, _D).astype(jnp.float32)
    um2 = update_mask.reshape(_B * _NL, 128)
    rm2 = retain_mask.reshape(_B * _NL, 128)
    fm2 = forget_mask.reshape(_B * _NL, 128)
    uv2 = update_vec.astype(jnp.float32).reshape(_B // _BG, _BG, _D)
    wv2 = write_vec.astype(jnp.float32).reshape(_B // _BG, _BG, _D)
    idx2 = overwrite_idx.astype(jnp.int32).reshape(_B // _BG, _BG, 1)
    wm2 = write_mask.astype(jnp.float32).reshape(_B // _BG, _BG, 1)

    bg16 = _BG * _NL
    mem, stats = pl.pallas_call(
        _slots_kernel,
        grid=(_B // _BG,),
        in_specs=[
            pl.BlockSpec((bg16, 128), lambda i: (i, 0)),
            pl.BlockSpec((bg16, 128), lambda i: (i, 0)),
            pl.BlockSpec((bg16, 128), lambda i: (i, 0)),
            pl.BlockSpec((None, _BG, _D), lambda i: (i, 0, 0)),
            pl.BlockSpec((None, _BG, _D), lambda i: (i, 0, 0)),
            pl.BlockSpec((1, _D), lambda i: (0, 0)),
            pl.BlockSpec((None, _BG, 1), lambda i: (i, 0, 0)),
            pl.BlockSpec((None, _BG, 1), lambda i: (i, 0, 0)),
            pl.BlockSpec((128, _PK), lambda i: (0, 0)),
        ],
        out_specs=[
            pl.BlockSpec((bg16, _PK), lambda i: (i, 0)),
            pl.BlockSpec((1, 128), lambda i: (0, 0)),
        ],
        out_shape=[
            jax.ShapeDtypeStruct((_B * _NL, _PK), jnp.float32),
            jax.ShapeDtypeStruct((1, 128), jnp.float32),
        ],
    )(um2, rm2, fm2, uv2, wv2, e2d, idx2, wm2,
      jnp.asarray(_S_SEL, jnp.bfloat16))

    return (mem.reshape(_B, _N, _D), stats[0, 0], stats[0, 1], stats[0, 2],
            stats[0, 3], stats[0, 4])

# --- scband reference (transcript-rebuilt; emitter-appended) ---
"""Pipeline reference for scband-memory-slots-22986664968494 (READ-ONLY COPY).

The authoritative reference and input builder live on the scoring server;
editing this copy changes nothing except your own understanding.
"""

import jax, jax.numpy as jnp
import numpy as np

B, N, D = 256, 2048, 64

def setup_inputs(seed: int = 0) -> dict:
    key = jax.random.key(seed)
    ks = jax.random.split(key, 8)
    return {
        "empty": jnp.zeros((D,), dtype=jnp.float32),
        "update_vec": jax.random.normal(ks[0], (B, D), dtype=jnp.float32),
        "write_vec": jax.random.normal(ks[1], (B, D), dtype=jnp.float32),
        "retain_mask": jax.random.randint(ks[2], (B, N), 0, 2).astype(bool),
        "update_mask": jax.random.randint(ks[3], (B, N), 0, 2).astype(bool),
        "forget_mask": jax.random.randint(ks[4], (B, N), 0, 2).astype(bool),
        "write_mask": jax.random.randint(ks[5], (B,), 0, 2).astype(bool),
        "overwrite_idx": jax.random.randint(ks[6], (B,), 0, N),
    }

def reference(empty, update_vec, write_vec, retain_mask, update_mask, forget_mask, write_mask, overwrite_idx):
    # reset(): mem = empty broadcast, age/usage = 0, alive = False
    mem = jnp.broadcast_to(empty[None, None, :], (B, N, D)).astype(jnp.float32)
    age = jnp.zeros((B, N), jnp.float32)
    usage = jnp.zeros((B, N), jnp.float32)
    alive = jnp.zeros((B, N), bool)
    # step(): age increment for alive slots
    age = age + alive.astype(jnp.float32)
    # forget
    mem = jnp.where(forget_mask[:, :, None], empty[None, None, :], mem)
    alive = alive & (~forget_mask)
    age = jnp.where(forget_mask, jnp.zeros_like(age), age)
    usage = jnp.where(forget_mask, jnp.zeros_like(usage), usage)
    # update (masked blend with broadcast update_vec)
    u = update_mask.astype(jnp.float32)[:, :, None]
    upd = jnp.broadcast_to(update_vec[:, None, :], (B, N, D))
    mem = (1.0 - u) * mem + u * (0.5 * mem + 0.5 * upd)
    alive = alive | update_mask
    age = jnp.where(update_mask, jnp.zeros_like(age), age)
    # retain
    alive = alive | retain_mask
    # write: masked per-batch scatter overwrite
    b_idx = jnp.arange(B)
    tgt = jnp.clip(overwrite_idx, 0, N - 1)
    cur = mem[b_idx, tgt, :]
    newrow = jnp.where(write_mask[:, None], write_vec, cur)
    mem = mem.at[b_idx, tgt, :].set(newrow)
    alive = alive.at[b_idx, tgt].set(jnp.where(write_mask, True, alive[b_idx, tgt]))
    age = age.at[b_idx, tgt].set(jnp.where(write_mask, 0.0, age[b_idx, tgt]))
    usage = usage.at[b_idx, tgt].set(jnp.where(write_mask, 0.0, usage[b_idx, tgt]))
    # stats
    utilization = alive.astype(jnp.float32).mean()
    denom = alive.astype(jnp.float32).sum() + 1e-06
    avg_age = jnp.where(alive, age, jnp.zeros_like(age)).sum() / denom
    writes = write_mask.astype(jnp.float32).mean()
    updates = update_mask.astype(jnp.float32).mean()
    forgets = forget_mask.astype(jnp.float32).mean()
    return (mem, utilization, avg_age, writes, updates, forgets)

if __name__ == "__main__":
    import jax
    _d = setup_inputs()
    print(jax.jit(kernel)(*tuple(_d.values())))

</pallas_src>

<mosaic_0001>
module attributes {stable_mosaic.version = 14 : i64} {
  func.func @_slots_kernel(%arg0: i32, %arg1: memref<64x128xi32, #tpu.memory_space<vmem>>, %arg2: memref<64x128xi32, #tpu.memory_space<vmem>>, %arg3: memref<64x128xi32, #tpu.memory_space<vmem>>, %arg4: memref<1x4x64xf32, #tpu.memory_space<vmem>>, %arg5: memref<1x4x64xf32, #tpu.memory_space<vmem>>, %arg6: memref<1x64xf32, #tpu.memory_space<vmem>>, %arg7: memref<1x4x1xi32, #tpu.memory_space<vmem>>, %arg8: memref<1x4x1xf32, #tpu.memory_space<vmem>>, %arg9: memref<128x8192xbf16, #tpu.memory_space<vmem>>, %arg10: memref<64x8192xf32, #tpu.memory_space<vmem>>, %arg11: memref<1x128xf32, #tpu.memory_space<vmem>>) attributes {dimension_semantics = [#tpu.dimension_semantics<arbitrary>], iteration_bounds = array<i64: 64>, scalar_prefetch = 0 : i64, scratch_operands = 0 : i64, tpu.core_type = #tpu.core_type<tc>, window_params = [{transform_indices = @transform_0, window_bounds = array<i64: 64, 128>}, {transform_indices = @transform_1, window_bounds = array<i64: 64, 128>}, {transform_indices = @transform_2, window_bounds = array<i64: 64, 128>}, {transform_indices = @transform_3, window_bounds = array<i64: 1, 4, 64>}, {transform_indices = @transform_4, window_bounds = array<i64: 1, 4, 64>}, {pipeline_mode = #tpu.pipeline_mode<synchronous>, transform_indices = @transform_5, window_bounds = array<i64: 1, 64>}, {transform_indices = @transform_6, window_bounds = array<i64: 1, 4, 1>}, {transform_indices = @transform_7, window_bounds = array<i64: 1, 4, 1>}, {pipeline_mode = #tpu.pipeline_mode<synchronous>, transform_indices = @transform_8, window_bounds = array<i64: 128, 8192>}, {transform_indices = @transform_9, window_bounds = array<i64: 64, 8192>}, {pipeline_mode = #tpu.pipeline_mode<synchronous>, transform_indices = @transform_10, window_bounds = array<i64: 1, 128>}]} {
    %get3A = arith.constant 0 : index
    %get3A_0 = arith.constant 0 : index
    %get3A_1 = vector.load %arg6[%get3A, %get3A_0] : memref<1x64xf32, #tpu.memory_space<vmem>>, vector<1x64xf32>
    %get3A_2 = arith.constant 0 : index
    %get3A_3 = arith.constant 0 : index
    %get3A_4 = vector.load %arg1[%get3A_2, %get3A_3] : memref<64x128xi32, #tpu.memory_space<vmem>>, vector<64x128xi32>
    %get3A_5 = arith.constant dense<0> : vector<64x128xi32>
    %get3A_6 = arith.cmpi ne, %get3A_4, %get3A_5 : vector<64x128xi32>
    %convert_element_type3A = arith.extui %get3A_6 : vector<64x128xi1> to vector<64x128xi32>
    %convert_element_type3A_7 = arith.sitofp %convert_element_type3A : vector<64x128xi32> to vector<64x128xf32>
    %get3A_8 = arith.constant 0 : index
    %get3A_9 = arith.constant 0 : index
    %get3A_10 = vector.load %arg2[%get3A_8, %get3A_9] : memref<64x128xi32, #tpu.memory_space<vmem>>, vector<64x128xi32>
    %get3A_11 = arith.constant dense<0> : vector<64x128xi32>
    %get3A_12 = arith.cmpi ne, %get3A_10, %get3A_11 : vector<64x128xi32>
    %convert_element_type3A_13 = arith.extui %get3A_12 : vector<64x128xi1> to vector<64x128xi32>
    %convert_element_type3A_14 = arith.sitofp %convert_element_type3A_13 : vector<64x128xi32> to vector<64x128xf32>
    %get3A_15 = arith.constant 0 : index
    %get3A_16 = arith.constant 0 : index
    %get3A_17 = vector.load %arg3[%get3A_15, %get3A_16] : memref<64x128xi32, #tpu.memory_space<vmem>>, vector<64x128xi32>
    %get3A_18 = arith.constant dense<0> : vector<64x128xi32>
    %get3A_19 = arith.cmpi ne, %get3A_17, %get3A_18 : vector<64x128xi32>
    %convert_element_type3A_20 = arith.extui %get3A_19 : vector<64x128xi1> to vector<64x128xi32>
    %convert_element_type3A_21 = arith.sitofp %convert_element_type3A_20 : vector<64x128xi32> to vector<64x128xf32>
    %get3A_22 = arith.constant 0 : index
    %get3A_23 = arith.constant 0 : index
    %get3A_24 = arith.constant 0 : index
    %get3A_25 = vector.load %arg8[%get3A_22, %get3A_23, %get3A_24] : memref<1x4x1xf32, #tpu.memory_space<vmem>>, vector<1x4x1xf32>
    %get3A_26 = vector.shape_cast %get3A_25 : vector<1x4x1xf32> to vector<4x1xf32>
    %iota3A = tpu.iota {dimensions = array<i32: 0>} : vector<16x128xi32>
    %iota3A_27 = tpu.iota {dimensions = array<i32: 1>} : vector<16x128xi32>
    %mul3A = arith.constant 128 : i32
    %mul3A_28 = vector.broadcast %mul3A : i32 to vector<16x128xi32>
    %mul3A_29 = arith.muli %iota3A, %mul3A_28 : vector<16x128xi32>
    %add3A = arith.addi %mul3A_29, %iota3A_27 : vector<16x128xi32>
    %get3A_30 = arith.constant 0 : index
    %get3A_31 = arith.constant 0 : index
    %get3A_32 = arith.constant 0 : index
    %get3A_33 = vector.load %arg7[%get3A_30, %get3A_31, %get3A_32] : memref<1x4x1xi32, #tpu.memory_space<vmem>>, vector<1x1x1xi32>
    %get3A_34 = vector.extract %get3A_33[0, 0, 0] : i32 from vector<1x1x1xi32>
    %jit3A = arith.constant 0 : i32
    %jit3A_35 = arith.constant 2047 : i32
    %max3A = arith.maxsi %jit3A, %get3A_34 : i32
    %min3A = arith.minsi %jit3A_35, %max3A : i32
    %eq3A = vector.broadcast %min3A : i32 to vector<16x128xi32>
    %eq3A_36 = arith.cmpi eq, %add3A, %eq3A : vector<16x128xi32>
    %convert_element_type3A_37 = arith.extui %eq3A_36 : vector<16x128xi1> to vector<16x128xi32>
    %convert_element_type3A_38 = arith.sitofp %convert_element_type3A_37 : vector<16x128xi32> to vector<16x128xf32>
    %slice3A = vector.extract_strided_slice %get3A_26 {offsets = [0, 0], sizes = [1, 1], strides = [1, 1]} : vector<4x1xf32> to vector<1x1xf32>
    %squeeze3A = vector.extract %slice3A[0, 0] : f32 from vector<1x1xf32>
    %mul3A_39 = vector.broadcast %squeeze3A : f32 to vector<16x128xf32>
    %mul3A_40 = arith.mulf %convert_element_type3A_38, %mul3A_39 : vector<16x128xf32>
    %get3A_41 = arith.constant 0 : index
    %get3A_42 = arith.constant 1 : index
    %get3A_43 = arith.constant 0 : index
    %get3A_44 = vector.load %arg7[%get3A_41, %get3A_42, %get3A_43] : memref<1x4x1xi32, #tpu.memory_space<vmem>>, vector<1x1x1xi32>
    %get3A_45 = vector.extract %get3A_44[0, 0, 0] : i32 from vector<1x1x1xi32>
    %jit3A_46 = arith.constant 0 : i32
    %jit3A_47 = arith.constant 2047 : i32
    %max3A_48 = arith.maxsi %jit3A_46, %get3A_45 : i32
    %min3A_49 = arith.minsi %jit3A_47, %max3A_48 : i32
    %eq3A_50 = vector.broadcast %min3A_49 : i32 to vector<16x128xi32>
    %eq3A_51 = arith.cmpi eq, %add3A, %eq3A_50 : vector<16x128xi32>
    %convert_element_type3A_52 = arith.extui %eq3A_51 : vector<16x128xi1> to vector<16x128xi32>
    %convert_element_type3A_53 = arith.sitofp %convert_element_type3A_52 : vector<16x128xi32> to vector<16x128xf32>
    %slice3A_54 = vector.extract_strided_slice %get3A_26 {offsets = [1, 0], sizes = [1, 1], strides = [1, 1]} : vector<4x1xf32> to vector<1x1xf32>
    %squeeze3A_55 = vector.extract %slice3A_54[0, 0] : f32 from vector<1x1xf32>
    %mul3A_56 = vector.broadcast %squeeze3A_55 : f32 to vector<16x128xf32>
    %mul3A_57 = arith.mulf %convert_element_type3A_53, %mul3A_56 : vector<16x128xf32>
    %get3A_58 = arith.constant 0 : index
    %get3A_59 = arith.constant 2 : index
    %get3A_60 = arith.constant 0 : index
    %get3A_61 = vector.load %arg7[%get3A_58, %get3A_59, %get3A_60] : memref<1x4x1xi32, #tpu.memory_space<vmem>>, vector<1x1x1xi32>
    %get3A_62 = vector.extract %get3A_61[0, 0, 0] : i32 from vector<1x1x1xi32>
    %jit3A_63 = arith.constant 0 : i32
    %jit3A_64 = arith.constant 2047 : i32
    %max3A_65 = arith.maxsi %jit3A_63, %get3A_62 : i32
    %min3A_66 = arith.minsi %jit3A_64, %max3A_65 : i32
    %eq3A_67 = vector.broadcast %min3A_66 : i32 to vector<16x128xi32>
    %eq3A_68 = arith.cmpi eq, %add3A, %eq3A_67 : vector<16x128xi32>
    %convert_element_type3A_69 = arith.extui %eq3A_68 : vector<16x128xi1> to vector<16x128xi32>
    %convert_element_type3A_70 = arith.sitofp %convert_element_type3A_69 : vector<16x128xi32> to vector<16x128xf32>
    %slice3A_71 = vector.extract_strided_slice %get3A_26 {offsets = [2, 0], sizes = [1, 1], strides = [1, 1]} : vector<4x1xf32> to vector<1x1xf32>
    %squeeze3A_72 = vector.extract %slice3A_71[0, 0] : f32 from vector<1x1xf32>
    %mul3A_73 = vector.broadcast %squeeze3A_72 : f32 to vector<16x128xf32>
    %mul3A_74 = arith.mulf %convert_element_type3A_70, %mul3A_73 : vector<16x128xf32>
    %get3A_75 = arith.constant 0 : index
    %get3A_76 = arith.constant 3 : index
    %get3A_77 = arith.constant 0 : index
    %get3A_78 = vector.load %arg7[%get3A_75, %get3A_76, %get3A_77] : memref<1x4x1xi32, #tpu.memory_space<vmem>>, vector<1x1x1xi32>
    %get3A_79 = vector.extract %get3A_78[0, 0, 0] : i32 from vector<1x1x1xi32>
    %jit3A_80 = arith.constant 0 : i32
    %jit3A_81 = arith.constant 2047 : i32
    %max3A_82 = arith.maxsi %jit3A_80, %get3A_79 : i32
    %min3A_83 = arith.minsi %jit3A_81, %max3A_82 : i32
    %eq3A_84 = vector.broadcast %min3A_83 : i32 to vector<16x128xi32>
    %eq3A_85 = arith.cmpi eq, %add3A, %eq3A_84 : vector<16x128xi32>
    %convert_element_type3A_86 = arith.extui %eq3A_85 : vector<16x128xi1> to vector<16x128xi32>
    %convert_element_type3A_87 = arith.sitofp %convert_element_type3A_86 : vector<16x128xi32> to vector<16x128xf32>
    %slice3A_88 = vector.extract_strided_slice %get3A_26 {offsets = [3, 0], sizes = [1, 1], strides = [1, 1]} : vector<4x1xf32> to vector<1x1xf32>
    %squeeze3A_89 = vector.extract %slice3A_88[0, 0] : f32 from vector<1x1xf32>
    %mul3A_90 = vector.broadcast %squeeze3A_89 : f32 to vector<16x128xf32>
    %mul3A_91 = arith.mulf %convert_element_type3A_87, %mul3A_90 : vector<16x128xf32>
    %concatenate3A = tpu.concatenate %mul3A_40, %mul3A_57, %mul3A_74, %mul3A_91 in 0 : vector<16x128xf32>, vector<16x128xf32>, vector<16x128xf32>, vector<16x128xf32> -> vector<64x128xf32>
    %sub3A = arith.constant 1.000000e+00 : f32
    %sub3A_92 = vector.broadcast %sub3A : f32 to vector<64x128xf32>
    %sub3A_93 = arith.subf %sub3A_92, %concatenate3A : vector<64x128xf32>
    %mul3A_94 = arith.mulf %convert_element_type3A_7, %sub3A_93 : vector<64x128xf32>
    %get3A_95 = arith.constant 0 : index
    %get3A_96 = arith.constant 0 : index
    %get3A_97 = vector.load %arg9[%get3A_95, %get3A_96] : memref<128x8192xbf16, #tpu.memory_space<vmem>>, vector<128x8192xbf16>
    %concatenate3A_98 = tpu.concatenate %mul3A_94, %concatenate3A in 0 : vector<64x128xf32>, vector<64x128xf32> -> vector<128x128xf32>
    %convert_element_type3A_99 = arith.truncf %concatenate3A_98 : vector<128x128xf32> to vector<128x128xbf16>
    %dot_general3A = arith.constant dense<0.000000e+00> : vector<128x8192xf32>
    %dot_general3A_100 = tpu.matmul %convert_element_type3A_99, %get3A_97, %dot_general3A {dimension_numbers = #tpu.dot_dimension_numbers<[1], [0], [0], [1], [0, 0, 1, 1], [], []>, transpose_lhs_hint = false} : vector<128x128xbf16>, vector<128x8192xbf16>, vector<128x8192xf32> -> vector<128x8192xf32>
    %get3A_101 = arith.constant 0 : index
    %get3A_102 = arith.constant 0 : index
    %get3A_103 = arith.constant 0 : index
    %get3A_104 = vector.load %arg4[%get3A_101, %get3A_102, %get3A_103] : memref<1x4x64xf32, #tpu.memory_space<vmem>>, vector<1x1x64xf32>
    %get3A_105 = vector.shape_cast %get3A_104 : vector<1x1x64xf32> to vector<1x64xf32>
    %mul3A_106 = arith.constant 5.000000e-01 : f32
    %mul3A_107 = vector.broadcast %mul3A_106 : f32 to vector<1x64xf32>
    %mul3A_108 = arith.mulf %mul3A_107, %get3A_105 : vector<1x64xf32>
    %mul3A_109 = arith.constant 5.000000e-01 : f32
    %mul3A_110 = vector.broadcast %mul3A_109 : f32 to vector<1x64xf32>
    %mul3A_111 = arith.mulf %mul3A_110, %get3A_1 : vector<1x64xf32>
    %sub3A_112 = arith.subf %mul3A_108, %mul3A_111 : vector<1x64xf32>
    %tile3A = tpu.concatenate %sub3A_112, %sub3A_112, %sub3A_112, %sub3A_112, %sub3A_112, %sub3A_112, %sub3A_112, %sub3A_112, %sub3A_112, %sub3A_112, %sub3A_112, %sub3A_112, %sub3A_112, %sub3A_112, %sub3A_112, %sub3A_112, %sub3A_112, %sub3A_112, %sub3A_112, %sub3A_112, %sub3A_112, %sub3A_112, %sub3A_112, %sub3A_112, %sub3A_112, %sub3A_112, %sub3A_112, %sub3A_112, %sub3A_112, %sub3A_112, %sub3A_112, %sub3A_112, %sub3A_112, %sub3A_112, %sub3A_112, %sub3A_112, %sub3A_112, %sub3A_112, %sub3A_112, %sub3A_112, %sub3A_112, %sub3A_112, %sub3A_112, %sub3A_112, %sub3A_112, %sub3A_112, %sub3A_112, %sub3A_112, %sub3A_112, %sub3A_112, %sub3A_112, %sub3A_112, %sub3A_112, %sub3A_112, %sub3A_112, %sub3A_112, %sub3A_112, %sub3A_112, %sub3A_112, %sub3A_112, %sub3A_112, %sub3A_112, %sub3A_112, %sub3A_112, %sub3A_112, %sub3A_112, %sub3A_112, %sub3A_112, %sub3A_112, %sub3A_112, %sub3A_112, %sub3A_112, %sub3A_112, %sub3A_112, %sub3A_112, %sub3A_112, %sub3A_112, %sub3A_112, %sub3A_112, %sub3A_112, %sub3A_112, %sub3A_112, %sub3A_112, %sub3A_112, %sub3A_112, %sub3A_112, %sub3A_112, %sub3A_112, %sub3A_112, %sub3A_112, %sub3A_112, %sub3A_112, %sub3A_112, %sub3A_112, %sub3A_112, %sub3A_112, %sub3A_112, %sub3A_112, %sub3A_112, %sub3A_112, %sub3A_112, %sub3A_112, %sub3A_112, %sub3A_112, %sub3A_112, %sub3A_112, %sub3A_112, %sub3A_112, %sub3A_112, %sub3A_112, %sub3A_112, %sub3A_112, %sub3A_112, %sub3A_112, %sub3A_112, %sub3A_112, %sub3A_112, %sub3A_112, %sub3A_112, %sub3A_112, %sub3A_112, %sub3A_112, %sub3A_112, %sub3A_112, %sub3A_112, %sub3A_112, %sub3A_112, %sub3A_112 in 1 : vector<1x64xf32>, vector<1x64xf32>, vector<1x64xf32>, vector<1x64xf32>, vector<1x64xf32>, vector<1x64xf32>, vector<1x64xf32>, vector<1x64xf32>, vector<1x64xf32>, vector<1x64xf32>, vector<1x64xf32>, vector<1x64xf32>, vector<1x64xf32>, vector<1x64xf32>, vector<1x64xf32>, vector<1x64xf32>, vector<1x64xf32>, vector<1x64xf32>, vector<1x64xf32>, vector<1x64xf32>, vector<1x64xf32>, vector<1x64xf32>, vector<1x64xf32>, vector<1x64xf32>, vector<1x64xf32>, vector<1x64xf32>, vector<1x64xf32>, vector<1x64xf32>, vector<1x64xf32>, vector<1x64xf32>, vector<1x64xf32>, vector<1x64xf32>, vector<1x64xf32>, vector<1x64xf32>, vector<1x64xf32>, vector<1x64xf32>, vector<1x64xf32>, vector<1x64xf32>, vector<1x64xf32>, vector<1x64xf32>, vector<1x64xf32>, vector<1x64xf32>, vector<1x64xf32>, vector<1x64xf32>, vector<1x64xf32>, vector<1x64xf32>, vector<1x64xf32>, vector<1x64xf32>, vector<1x64xf32>, vector<1x64xf32>, vector<1x64xf32>, vector<1x64xf32>, vector<1x64xf32>, vector<1x64xf32>, vector<1x64xf32>, vector<1x64xf32>, vector<1x64xf32>, vector<1x64xf32>, vector<1x64xf32>, vector<1x64xf32>, vector<1x64xf32>, vector<1x64xf32>, vector<1x64xf32>, vector<1x64xf32>, vector<1x64xf32>, vector<1x64xf32>, vector<1x64xf32>, vector<1x64xf32>, vector<1x64xf32>, vector<1x64xf32>, vector<1x64xf32>, vector<1x64xf32>, vector<1x64xf32>, vector<1x64xf32>, vector<1x64xf32>, vector<1x64xf32>, vector<1x64xf32>, vector<1x64xf32>, vector<1x64xf32>, vector<1x64xf32>, vector<1x64xf32>, vector<1x64xf32>, vector<1x64xf32>, vector<1x64xf32>, vector<1x64xf32>, vector<1x64xf32>, vector<1x64xf32>, vector<1x64xf32>, vector<1x64xf32>, vector<1x64xf32>, vector<1x64xf32>, vector<1x64xf32>, vector<1x64xf32>, vector<1x64xf32>, vector<1x64xf32>, vector<1x64xf32>, vector<1x64xf32>, vector<1x64xf32>, vector<1x64xf32>, vector<1x64xf32>, vector<1x64xf32>, vector<1x64xf32>, vector<1x64xf32>, vector<1x64xf32>, vector<1x64xf32>, vector<1x64xf32>, vector<1x64xf32>, vector<1x64xf32>, vector<1x64xf32>, vector<1x64xf32>, vector<1x64xf32>, vector<1x64xf32>, vector<1x64xf32>, vector<1x64xf32>, vector<1x64xf32>, vector<1x64xf32>, vector<1x64xf32>, vector<1x64xf32>, vector<1x64xf32>, vector<1x64xf32>, vector<1x64xf32>, vector<1x64xf32>, vector<1x64xf32>, vector<1x64xf32>, vector<1x64xf32>, vector<1x64xf32>, vector<1x64xf32>, vector<1x64xf32> -> vector<1x8192xf32>
    %get3A_113 = arith.constant 0 : index
    %get3A_114 = arith.constant 0 : index
    %get3A_115 = arith.constant 0 : index
    %get3A_116 = vector.load %arg5[%get3A_113, %get3A_114, %get3A_115] : memref<1x4x64xf32, #tpu.memory_space<vmem>>, vector<1x1x64xf32>
    %get3A_117 = vector.shape_cast %get3A_116 : vector<1x1x64xf32> to vector<1x64xf32>
    %sub3A_118 = arith.subf %get3A_117, %get3A_1 : vector<1x64xf32>
    %tile3A_119 = tpu.concatenate %sub3A_118, %sub3A_118, %sub3A_118, %sub3A_118, %sub3A_118, %sub3A_118, %sub3A_118, %sub3A_118, %sub3A_118, %sub3A_118, %sub3A_118, %sub3A_118, %sub3A_118, %sub3A_118, %sub3A_118, %sub3A_118, %sub3A_118, %sub3A_118, %sub3A_118, %sub3A_118, %sub3A_118, %sub3A_118, %sub3A_118, %sub3A_118, %sub3A_118, %sub3A_118, %sub3A_118, %sub3A_118, %sub3A_118, %sub3A_118, %sub3A_118, %sub3A_118, %sub3A_118, %sub3A_118, %sub3A_118, %sub3A_118, %sub3A_118, %sub3A_118, %sub3A_118, %sub3A_118, %sub3A_118, %sub3A_118, %sub3A_118, %sub3A_118, %sub3A_118, %sub3A_118, %sub3A_118, %sub3A_118, %sub3A_118, %sub3A_118, %sub3A_118, %sub3A_118, %sub3A_118, %sub3A_118, %sub3A_118, %sub3A_118, %sub3A_118, %sub3A_118, %sub3A_118, %sub3A_118, %sub3A_118, %sub3A_118, %sub3A_118, %sub3A_118, %sub3A_118, %sub3A_118, %sub3A_118, %sub3A_118, %sub3A_118, %sub3A_118, %sub3A_118, %sub3A_118, %sub3A_118, %sub3A_118, %sub3A_118, %sub3A_118, %sub3A_118, %sub3A_118, %sub3A_118, %sub3A_118, %sub3A_118, %sub3A_118, %sub3A_118, %sub3A_118, %sub3A_118, %sub3A_118, %sub3A_118, %sub3A_118, %sub3A_118, %sub3A_118, %sub3A_118, %sub3A_118, %sub3A_118, %sub3A_118, %sub3A_118, %sub3A_118, %sub3A_118, %sub3A_118, %sub3A_118, %sub3A_118, %sub3A_118, %sub3A_118, %sub3A_118, %sub3A_118, %sub3A_118, %sub3A_118, %sub3A_118, %sub3A_118, %sub3A_118, %sub3A_118, %sub3A_118, %sub3A_118, %sub3A_118, %sub3A_118, %sub3A_118, %sub3A_118, %sub3A_118, %sub3A_118, %sub3A_118, %sub3A_118, %sub3A_118, %sub3A_118, %sub3A_118, %sub3A_118, %sub3A_118, %sub3A_118, %sub3A_118, %sub3A_118 in 1 : vector<1x64xf32>, vector<1x64xf32>, vector<1x64xf32>, vector<1x64xf32>, vector<1x64xf32>, vector<1x64xf32>, vector<1x64xf32>, vector<1x64xf32>, vector<1x64xf32>, vector<1x64xf32>, vector<1x64xf32>, vector<1x64xf32>, vector<1x64xf32>, vector<1x64xf32>, vector<1x64xf32>, vector<1x64xf32>, vector<1x64xf32>, vector<1x64xf32>, vector<1x64xf32>, vector<1x64xf32>, vector<1x64xf32>, vector<1x64xf32>, vector<1x64xf32>, vector<1x64xf32>, vector<1x64xf32>, vector<1x64xf32>, vector<1x64xf32>, vector<1x64xf32>, vector<1x64xf32>, vector<1x64xf32>, vector<1x64xf32>, vector<1x64xf32>, vector<1x64xf32>, vector<1x64xf32>, vector<1x64xf32>, vector<1x64xf32>, vector<1x64xf32>, vector<1x64xf32>, vector<1x64xf32>, vector<1x64xf32>, vector<1x64xf32>, vector<1x64xf32>, vector<1x64xf32>, vector<1x64xf32>, vector<1x64xf32>, vector<1x64xf32>, vector<1x64xf32>, vector<1x64xf32>, vector<1x64xf32>, vector<1x64xf32>, vector<1x64xf32>, vector<1x64xf32>, vector<1x64xf32>, vector<1x64xf32>, vector<1x64xf32>, vector<1x64xf32>, vector<1x64xf32>, vector<1x64xf32>, vector<1x64xf32>, vector<1x64xf32>, vector<1x64xf32>, vector<1x64xf32>, vector<1x64xf32>, vector<1x64xf32>, vector<1x64xf32>, vector<1x64xf32>, vector<1x64xf32>, vector<1x64xf32>, vector<1x64xf32>, vector<1x64xf32>, vector<1x64xf32>, vector<1x64xf32>, vector<1x64xf32>, vector<1x64xf32>, vector<1x64xf32>, vector<1x64xf32>, vector<1x64xf32>, vector<1x64xf32>, vector<1x64xf32>, vector<1x64xf32>, vector<1x64xf32>, vector<1x64xf32>, vector<1x64xf32>, vector<1x64xf32>, vector<1x64xf32>, vector<1x64xf32>, vector<1x64xf32>, vector<1x64xf32>, vector<1x64xf32>, vector<1x64xf32>, vector<1x64xf32>, vector<1x64xf32>, vector<1x64xf32>, vector<1x64xf32>, vector<1x64xf32>, vector<1x64xf32>, vector<1x64xf32>, vector<1x64xf32>, vector<1x64xf32>, vector<1x64xf32>, vector<1x64xf32>, vector<1x64xf32>, vector<1x64xf32>, vector<1x64xf32>, vector<1x64xf32>, vector<1x64xf32>, vector<1x64xf32>, vector<1x64xf32>, vector<1x64xf32>, vector<1x64xf32>, vector<1x64xf32>, vector<1x64xf32>, vector<1x64xf32>, vector<1x64xf32>, vector<1x64xf32>, vector<1x64xf32>, vector<1x64xf32>, vector<1x64xf32>, vector<1x64xf32>, vector<1x64xf32>, vector<1x64xf32>, vector<1x64xf32>, vector<1x64xf32>, vector<1x64xf32>, vector<1x64xf32>, vector<1x64xf32>, vector<1x64xf32>, vector<1x64xf32> -> vector<1x8192xf32>
    %tile3A_120 = tpu.concatenate %get3A_1, %get3A_1, %get3A_1, %get3A_1, %get3A_1, %get3A_1, %get3A_1, %get3A_1, %get3A_1, %get3A_1, %get3A_1, %get3A_1, %get3A_1, %get3A_1, %get3A_1, %get3A_1, %get3A_1, %get3A_1, %get3A_1, %get3A_1, %get3A_1, %get3A_1, %get3A_1, %get3A_1, %get3A_1, %get3A_1, %get3A_1, %get3A_1, %get3A_1, %get3A_1, %get3A_1, %get3A_1, %get3A_1, %get3A_1, %get3A_1, %get3A_1, %get3A_1, %get3A_1, %get3A_1, %get3A_1, %get3A_1, %get3A_1, %get3A_1, %get3A_1, %get3A_1, %get3A_1, %get3A_1, %get3A_1, %get3A_1, %get3A_1, %get3A_1, %get3A_1, %get3A_1, %get3A_1, %get3A_1, %get3A_1, %get3A_1, %get3A_1, %get3A_1, %get3A_1, %get3A_1, %get3A_1, %get3A_1, %get3A_1, %get3A_1, %get3A_1, %get3A_1, %get3A_1, %get3A_1, %get3A_1, %get3A_1, %get3A_1, %get3A_1, %get3A_1, %get3A_1, %get3A_1, %get3A_1, %get3A_1, %get3A_1, %get3A_1, %get3A_1, %get3A_1, %get3A_1, %get3A_1, %get3A_1, %get3A_1, %get3A_1, %get3A_1, %get3A_1, %get3A_1, %get3A_1, %get3A_1, %get3A_1, %get3A_1, %get3A_1, %get3A_1, %get3A_1, %get3A_1, %get3A_1, %get3A_1, %get3A_1, %get3A_1, %get3A_1, %get3A_1, %get3A_1, %get3A_1, %get3A_1, %get3A_1, %get3A_1, %get3A_1, %get3A_1, %get3A_1, %get3A_1, %get3A_1, %get3A_1, %get3A_1, %get3A_1, %get3A_1, %get3A_1, %get3A_1, %get3A_1, %get3A_1, %get3A_1, %get3A_1, %get3A_1, %get3A_1, %get3A_1, %get3A_1 in 1 : vector<1x64xf32>, vector<1x64xf32>, vector<1x64xf32>, vector<1x64xf32>, vector<1x64xf32>, vector<1x64xf32>, vector<1x64xf32>, vector<1x64xf32>, vector<1x64xf32>, vector<1x64xf32>, vector<1x64xf32>, vector<1x64xf32>, vector<1x64xf32>, vector<1x64xf32>, vector<1x64xf32>, vector<1x64xf32>, vector<1x64xf32>, vector<1x64xf32>, vector<1x64xf32>, vector<1x64xf32>, vector<1x64xf32>, vector<1x64xf32>, vector<1x64xf32>, vector<1x64xf32>, vector<1x64xf32>, vector<1x64xf32>, vector<1x64xf32>, vector<1x64xf32>, vector<1x64xf32>, vector<1x64xf32>, vector<1x64xf32>, vector<1x64xf32>, vector<1x64xf32>, vector<1x64xf32>, vector<1x64xf32>, vector<1x64xf32>, vector<1x64xf32>, vector<1x64xf32>, vector<1x64xf32>, vector<1x64xf32>, vector<1x64xf32>, vector<1x64xf32>, vector<1x64xf32>, vector<1x64xf32>, vector<1x64xf32>, vector<1x64xf32>, vector<1x64xf32>, vector<1x64xf32>, vector<1x64xf32>, vector<1x64xf32>, vector<1x64xf32>, vector<1x64xf32>, vector<1x64xf32>, vector<1x64xf32>, vector<1x64xf32>, vector<1x64xf32>, vector<1x64xf32>, vector<1x64xf32>, vector<1x64xf32>, vector<1x64xf32>, vector<1x64xf32>, vector<1x64xf32>, vector<1x64xf32>, vector<1x64xf32>, vector<1x64xf32>, vector<1x64xf32>, vector<1x64xf32>, vector<1x64xf32>, vector<1x64xf32>, vector<1x64xf32>, vector<1x64xf32>, vector<1x64xf32>, vector<1x64xf32>, vector<1x64xf32>, vector<1x64xf32>, vector<1x64xf32>, vector<1x64xf32>, vector<1x64xf32>, vector<1x64xf32>, vector<1x64xf32>, vector<1x64xf32>, vector<1x64xf32>, vector<1x64xf32>, vector<1x64xf32>, vector<1x64xf32>, vector<1x64xf32>, vector<1x64xf32>, vector<1x64xf32>, vector<1x64xf32>, vector<1x64xf32>, vector<1x64xf32>, vector<1x64xf32>, vector<1x64xf32>, vector<1x64xf32>, vector<1x64xf32>, vector<1x64xf32>, vector<1x64xf32>, vector<1x64xf32>, vector<1x64xf32>, vector<1x64xf32>, vector<1x64xf32>, vector<1x64xf32>, vector<1x64xf32>, vector<1x64xf32>, vector<1x64xf32>, vector<1x64xf32>, vector<1x64xf32>, vector<1x64xf32>, vector<1x64xf32>, vector<1x64xf32>, vector<1x64xf32>, vector<1x64xf32>, vector<1x64xf32>, vector<1x64xf32>, vector<1x64xf32>, vector<1x64xf32>, vector<1x64xf32>, vector<1x64xf32>, vector<1x64xf32>, vector<1x64xf32>, vector<1x64xf32>, vector<1x64xf32>, vector<1x64xf32>, vector<1x64xf32>, vector<1x64xf32>, vector<1x64xf32>, vector<1x64xf32>, vector<1x64xf32> -> vector<1x8192xf32>
    %slice3A_121 = vector.extract_strided_slice %dot_general3A_100 {offsets = [0, 0], sizes = [16, 8192], strides = [1, 1]} : vector<128x8192xf32> to vector<16x8192xf32>
    %slice3A_122 = vector.extract_strided_slice %dot_general3A_100 {offsets = [64, 0], sizes = [16, 8192], strides = [1, 1]} : vector<128x8192xf32> to vector<16x8192xf32>
    %mul3A_123 = vector.broadcast %tile3A : vector<1x8192xf32> to vector<16x8192xf32>
    %mul3A_124 = arith.mulf %slice3A_121, %mul3A_123 : vector<16x8192xf32>
    %add3A_125 = vector.broadcast %tile3A_120 : vector<1x8192xf32> to vector<16x8192xf32>
    %add3A_126 = arith.addf %add3A_125, %mul3A_124 : vector<16x8192xf32>
    %mul3A_127 = vector.broadcast %tile3A_119 : vector<1x8192xf32> to vector<16x8192xf32>
    %mul3A_128 = arith.mulf %slice3A_122, %mul3A_127 : vector<16x8192xf32>
    %add3A_129 = arith.addf %add3A_126, %mul3A_128 : vector<16x8192xf32>
    %swap3A = arith.constant 0 : index
    %swap3A_130 = arith.constant 0 : index
    %swap3A_131 = vector.load %arg10[%swap3A, %swap3A_130] : memref<64x8192xf32, #tpu.memory_space<vmem>>, vector<16x8192xf32>
    tpu.vector_store %arg10[%swap3A, %swap3A_130], %add3A_129 {strides = array<i32>} : memref<64x8192xf32, #tpu.memory_space<vmem>>, vector<16x8192xf32>,
    %get3A_132 = arith.constant 0 : index
    %get3A_133 = arith.constant 1 : index
    %get3A_134 = arith.constant 0 : index
    %get3A_135 = vector.load %arg4[%get3A_132, %get3A_133, %get3A_134] : memref<1x4x64xf32, #tpu.memory_space<vmem>>, vector<1x1x64xf32>
    %get3A_136 = vector.shape_cast %get3A_135 : vector<1x1x64xf32> to vector<1x64xf32>
    %mul3A_137 = arith.constant 5.000000e-01 : f32
    %mul3A_138 = vector.broadcast %mul3A_137 : f32 to vector<1x64xf32>
    %mul3A_139 = arith.mulf %mul3A_138, %get3A_136 : vector<1x64xf32>
    %mul3A_140 = arith.constant 5.000000e-01 : f32
    %mul3A_141 = vector.broadcast %mul3A_140 : f32 to vector<1x64xf32>
    %mul3A_142 = arith.mulf %mul3A_141, %get3A_1 : vector<1x64xf32>
    %sub3A_143 = arith.subf %mul3A_139, %mul3A_142 : vector<1x64xf32>
    %tile3A_144 = tpu.concatenate %sub3A_143, %sub3A_143, %sub3A_143, %sub3A_143, %sub3A_143, %sub3A_143, %sub3A_143, %sub3A_143, %sub3A_143, %sub3A_143, %sub3A_143, %sub3A_143, %sub3A_143, %sub3A_143, %sub3A_143, %sub3A_143, %sub3A_143, %sub3A_143, %sub3A_143, %sub3A_143, %sub3A_143, %sub3A_143, %sub3A_143, %sub3A_143, %sub3A_143, %sub3A_143, %sub3A_143, %sub3A_143, %sub3A_143, %sub3A_143, %sub3A_143, %sub3A_143, %sub3A_143, %sub3A_143, %sub3A_143, %sub3A_143, %sub3A_143, %sub3A_143, %sub3A_143, %sub3A_143, %sub3A_143, %sub3A_143, %sub3A_143, %sub3A_143, %sub3A_143, %sub3A_143, %sub3A_143, %sub3A_143, %sub3A_143, %sub3A_143, %sub3A_143, %sub3A_143, %sub3A_143, %sub3A_143, %sub3A_143, %sub3A_143, %sub3A_143, %sub3A_143, %sub3A_143, %sub3A_143, %sub3A_143, %sub3A_143, %sub3A_143, %sub3A_143, %sub3A_143, %sub3A_143, %sub3A_143, %sub3A_143, %sub3A_143, %sub3A_143, %sub3A_143, %sub3A_143, %sub3A_143, %sub3A_143, %sub3A_143, %sub3A_143, %sub3A_143, %sub3A_143, %sub3A_143, %sub3A_143, %sub3A_143, %sub3A_143, %sub3A_143, %sub3A_143, %sub3A_143, %sub3A_143, %sub3A_143, %sub3A_143, %sub3A_143, %sub3A_143, %sub3A_143, %sub3A_143, %sub3A_143, %sub3A_143, %sub3A_143, %sub3A_143, %sub3A_143, %sub3A_143, %sub3A_143, %sub3A_143, %sub3A_143, %sub3A_143, %sub3A_143, %sub3A_143, %sub3A_143, %sub3A_143, %sub3A_143, %sub3A_143, %sub3A_143, %sub3A_143, %sub3A_143, %sub3A_143, %sub3A_143, %sub3A_143, %sub3A_143, %sub3A_143, %sub3A_143, %sub3A_143, %sub3A_143, %sub3A_143, %sub3A_143, %sub3A_143, %sub3A_143, %sub3A_143, %sub3A_143, %sub3A_143, %sub3A_143, %sub3A_143 in 1 : vector<1x64xf32>, vector<1x64xf32>, vector<1x64xf32>, vector<1x64xf32>, vector<1x64xf32>, vector<1x64xf32>, vector<1x64xf32>, vector<1x64xf32>, vector<1x64xf32>, vector<1x64xf32>, vector<1x64xf32>, vector<1x64xf32>, vector<1x64xf32>, vector<1x64xf32>, vector<1x64xf32>, vector<1x64xf32>, vector<1x64xf32>, vector<1x64xf32>, vector<1x64xf32>, vector<1x64xf32>, vector<1x64xf32>, vector<1x64xf32>, vector<1x64xf32>, vector<1x64xf32>, vector<1x64xf32>, vector<1x64xf32>, vector<1x64xf32>, vector<1x64xf32>, vector<1x64xf32>, vector<1x64xf32>, vector<1x64xf32>, vector<1x64xf32>, vector<1x64xf32>, vector<1x64xf32>, vector<1x64xf32>, vector<1x64xf32>, vector<1x64xf32>, vector<1x64xf32>, vector<1x64xf32>, vector<1x64xf32>, vector<1x64xf32>, vector<1x64xf32>, vector<1x64xf32>, vector<1x64xf32>, vector<1x64xf32>, vector<1x64xf32>, vector<1x64xf32>, vector<1x64xf32>, vector<1x64xf32>, vector<1x64xf32>, vector<1x64xf32>, vector<1x64xf32>, vector<1x64xf32>, vector<1x64xf32>, vector<1x64xf32>, vector<1x64xf32>, vector<1x64xf32>, vector<1x64xf32>, vector<1x64xf32>, vector<1x64xf32>, vector<1x64xf32>, vector<1x64xf32>, vector<1x64xf32>, vector<1x64xf32>, vector<1x64xf32>, vector<1x64xf32>, vector<1x64xf32>, vector<1x64xf32>, vector<1x64xf32>, vector<1x64xf32>, vector<1x64xf32>, vector<1x64xf32>, vector<1x64xf32>, vector<1x64xf32>, vector<1x64xf32>, vector<1x64xf32>, vector<1x64xf32>, vector<1x64xf32>, vector<1x64xf32>, vector<1x64xf32>, vector<1x64xf32>, vector<1x64xf32>, vector<1x64xf32>, vector<1x64xf32>, vector<1x64xf32>, vector<1x64xf32>, vector<1x64xf32>, vector<1x64xf32>, vector<1x64xf32>, vector<1x64xf32>, vector<1x64xf32>, vector<1x64xf32>, vector<1x64xf32>, vector<1x64xf32>, vector<1x64xf32>, vector<1x64xf32>, vector<1x64xf32>, vector<1x64xf32>, vector<1x64xf32>, vector<1x64xf32>, vector<1x64xf32>, vector<1x64xf32>, vector<1x64xf32>, vector<1x64xf32>, vector<1x64xf32>, vector<1x64xf32>, vector<1x64xf32>, vector<1x64xf32>, vector<1x64xf32>, vector<1x64xf32>, vector<1x64xf32>, vector<1x64xf32>, vector<1x64xf32>, vector<1x64xf32>, vector<1x64xf32>, vector<1x64xf32>, vector<1x64xf32>, vector<1x64xf32>, vector<1x64xf32>, vector<1x64xf32>, vector<1x64xf32>, vector<1x64xf32>, vector<1x64xf32>, vector<1x64xf32>, vector<1x64xf32>, vector<1x64xf32>, vector<1x64xf32>, vector<1x64xf32> -> vector<1x8192xf32>
    %get3A_145 = arith.constant 0 : index
    %get3A_146 = arith.constant 1 : index
    %get3A_147 = arith.constant 0 : index
    %get3A_148 = vector.load %arg5[%get3A_145, %get3A_146, %get3A_147] : memref<1x4x64xf32, #tpu.memory_space<vmem>>, vector<1x1x64xf32>
    %get3A_149 = vector.shape_cast %get3A_148 : vector<1x1x64xf32> to vector<1x64xf32>
    %sub3A_150 = arith.subf %get3A_149, %get3A_1 : vector<1x64xf32>
    %tile3A_151 = tpu.concatenate %sub3A_150, %sub3A_150, %sub3A_150, %sub3A_150, %sub3A_150, %sub3A_150, %sub3A_150, %sub3A_150, %sub3A_150, %sub3A_150, %sub3A_150, %sub3A_150, %sub3A_150, %sub3A_150, %sub3A_150, %sub3A_150, %sub3A_150, %sub3A_150, %sub3A_150, %sub3A_150, %sub3A_150, %sub3A_150, %sub3A_150, %sub3A_150, %sub3A_150, %sub3A_150, %sub3A_150, %sub3A_150, %sub3A_150, %sub3A_150, %sub3A_150, %sub3A_150, %sub3A_150, %sub3A_150, %sub3A_150, %sub3A_150, %sub3A_150, %sub3A_150, %sub3A_150, %sub3A_150, %sub3A_150, %sub3A_150, %sub3A_150, %sub3A_150, %sub3A_150, %sub3A_150, %sub3A_150, %sub3A_150, %sub3A_150, %sub3A_150, %sub3A_150, %sub3A_150, %sub3A_150, %sub3A_150, %sub3A_150, %sub3A_150, %sub3A_150, %sub3A_150, %sub3A_150, %sub3A_150, %sub3A_150, %sub3A_150, %sub3A_150, %sub3A_150, %sub3A_150, %sub3A_150, %sub3A_150, %sub3A_150, %sub3A_150, %sub3A_150, %sub3A_150, %sub3A_150, %sub3A_150, %sub3A_150, %sub3A_150, %sub3A_150, %sub3A_150, %sub3A_150, %sub3A_150, %sub3A_150, %sub3A_150, %sub3A_150, %sub3A_150, %sub3A_150, %sub3A_150, %sub3A_150, %sub3A_150, %sub3A_150, %sub3A_150, %sub3A_150, %sub3A_150, %sub3A_150, %sub3A_150, %sub3A_150, %sub3A_150, %sub3A_150, %sub3A_150, %sub3A_150, %sub3A_150, %sub3A_150, %sub3A_150, %sub3A_150, %sub3A_150, %sub3A_150, %sub3A_150, %sub3A_150, %sub3A_150, %sub3A_150, %sub3A_150, %sub3A_150, %sub3A_150, %sub3A_150, %sub3A_150, %sub3A_150, %sub3A_150, %sub3A_150, %sub3A_150, %sub3A_150, %sub3A_150, %sub3A_150, %sub3A_150, %sub3A_150, %sub3A_150, %sub3A_150, %sub3A_150, %sub3A_150, %sub3A_150, %sub3A_150 in 1 : vector<1x64xf32>, vector<1x64xf32>, vector<1x64xf32>, vector<1x64xf32>, vector<1x64xf32>, vector<1x64xf32>, vector<1x64xf32>, vector<1x64xf32>, vector<1x64xf32>, vector<1x64xf32>, vector<1x64xf32>, vector<1x64xf32>, vector<1x64xf32>, vector<1x64xf32>, vector<1x64xf32>, vector<1x64xf32>, vector<1x64xf32>, vector<1x64xf32>, vector<1x64xf32>, vector<1x64xf32>, vector<1x64xf32>, vector<1x64xf32>, vector<1x64xf32>, vector<1x64xf32>, vector<1x64xf32>, vector<1x64xf32>, vector<1x64xf32>, vector<1x64xf32>, vector<1x64xf32>, vector<1x64xf32>, vector<1x64xf32>, vector<1x64xf32>, vector<1x64xf32>, vector<1x64xf32>, vector<1x64xf32>, vector<1x64xf32>, vector<1x64xf32>, vector<1x64xf32>, vector<1x64xf32>, vector<1x64xf32>, vector<1x64xf32>, vector<1x64xf32>, vector<1x64xf32>, vector<1x64xf32>, vector<1x64xf32>, vector<1x64xf32>, vector<1x64xf32>, vector<1x64xf32>, vector<1x64xf32>, vector<1x64xf32>, vector<1x64xf32>, vector<1x64xf32>, vector<1x64xf32>, vector<1x64xf32>, vector<1x64xf32>, vector<1x64xf32>, vector<1x64xf32>, vector<1x64xf32>, vector<1x64xf32>, vector<1x64xf32>, vector<1x64xf32>, vector<1x64xf32>, vector<1x64xf32>, vector<1x64xf32>, vector<1x64xf32>, vector<1x64xf32>, vector<1x64xf32>, vector<1x64xf32>, vector<1x64xf32>, vector<1x64xf32>, vector<1x64xf32>, vector<1x64xf32>, vector<1x64xf32>, vector<1x64xf32>, vector<1x64xf32>, vector<1x64xf32>, vector<1x64xf32>, vector<1x64xf32>, vector<1x64xf32>, vector<1x64xf32>, vector<1x64xf32>, vector<1x64xf32>, vector<1x64xf32>, vector<1x64xf32>, vector<1x64xf32>, vector<1x64xf32>, vector<1x64xf32>, vector<1x64xf32>, vector<1x64xf32>, vector<1x64xf32>, vector<1x64xf32>, vector<1x64xf32>, vector<1x64xf32>, vector<1x64xf32>, vector<1x64xf32>, vector<1x64xf32>, vector<1x64xf32>, vector<1x64xf32>, vector<1x64xf32>, vector<1x64xf32>, vector<1x64xf32>, vector<1x64xf32>, vector<1x64xf32>, vector<1x64xf32>, vector<1x64xf32>, vector<1x64xf32>, vector<1x64xf32>, vector<1x64xf32>, vector<1x64xf32>, vector<1x64xf32>, vector<1x64xf32>, vector<1x64xf32>, vector<1x64xf32>, vector<1x64xf32>, vector<1x64xf32>, vector<1x64xf32>, vector<1x64xf32>, vector<1x64xf32>, vector<1x64xf32>, vector<1x64xf32>, vector<1x64xf32>, vector<1x64xf32>, vector<1x64xf32>, vector<1x64xf32>, vector<1x64xf32>, vector<1x64xf32>, vector<1x64xf32>, vector<1x64xf32> -> vector<1x8192xf32>
    %tile3A_152 = tpu.concatenate %get3A_1, %get3A_1, %get3A_1, %get3A_1, %get3A_1, %get3A_1, %get3A_1, %get3A_1, %get3A_1, %get3A_1, %get3A_1, %get3A_1, %get3A_1, %get3A_1, %get3A_1, %get3A_1, %get3A_1, %get3A_1, %get3A_1, %get3A_1, %get3A_1, %get3A_1, %get3A_1, %get3A_1, %get3A_1, %get3A_1, %get3A_1, %get3A_1, %get3A_1, %get3A_1, %get3A_1, %get3A_1, %get3A_1, %get3A_1, %get3A_1, %get3A_1, %get3A_1, %get3A_1, %get3A_1, %get3A_1, %get3A_1, %get3A_1, %get3A_1, %get3A_1, %get3A_1, %get3A_1, %get3A_1, %get3A_1, %get3A_1, %get3A_1, %get3A_1, %get3A_1, %get3A_1, %get3A_1, %get3A_1, %get3A_1, %get3A_1, %get3A_1, %get3A_1, %get3A_1, %get3A_1, %get3A_1, %get3A_1, %get3A_1, %get3A_1, %get3A_1, %get3A_1, %get3A_1, %get3A_1, %get3A_1, %get3A_1, %get3A_1, %get3A_1, %get3A_1, %get3A_1, %get3A_1, %get3A_1, %get3A_1, %get3A_1, %get3A_1, %get3A_1, %get3A_1, %get3A_1, %get3A_1, %get3A_1, %get3A_1, %get3A_1, %get3A_1, %get3A_1, %get3A_1, %get3A_1, %get3A_1, %get3A_1, %get3A_1, %get3A_1, %get3A_1, %get3A_1, %get3A_1, %get3A_1, %get3A_1, %get3A_1, %get3A_1, %get3A_1, %get3A_1, %get3A_1, %get3A_1, %get3A_1, %get3A_1, %get3A_1, %get3A_1, %get3A_1, %get3A_1, %get3A_1, %get3A_1, %get3A_1, %get3A_1, %get3A_1, %get3A_1, %get3A_1, %get3A_1, %get3A_1, %get3A_1, %get3A_1, %get3A_1, %get3A_1, %get3A_1, %get3A_1, %get3A_1 in 1 : vector<1x64xf32>, vector<1x64xf32>, vector<1x64xf32>, vector<1x64xf32>, vector<1x64xf32>, vector<1x64xf32>, vector<1x64xf32>, vector<1x64xf32>, vector<1x64xf32>, vector<1x64xf32>, vector<1x64xf32>, vector<1x64xf32>, vector<1x64xf32>, vector<1x64xf32>, vector<1x64xf32>, vector<1x64xf32>, vector<1x64xf32>, vector<1x64xf32>, vector<1x64xf32>, vector<1x64xf32>, vector<1x64xf32>, vector<1x64xf32>, vector<1x64xf32>, vector<1x64xf32>, vector<1x64xf32>, vector<1x64xf32>, vector<1x64xf32>, vector<1x64xf32>, vector<1x64xf32>, vector<1x64xf32>, vector<1x64xf32>, vector<1x64xf32>, vector<1x64xf32>, vector<1x64xf32>, vector<1x64xf32>, vector<1x64xf32>, vector<1x64xf32>, vector<1x64xf32>, vector<1x64xf32>, vector<1x64xf32>, vector<1x64xf32>, vector<1x64xf32>, vector<1x64xf32>, vector<1x64xf32>, vector<1x64xf32>, vector<1x64xf32>, vector<1x64xf32>, vector<1x64xf32>, vector<1x64xf32>, vector<1x64xf32>, vector<1x64xf32>, vector<1x64xf32>, vector<1x64xf32>, vector<1x64xf32>, vector<1x64xf32>, vector<1x64xf32>, vector<1x64xf32>, vector<1x64xf32>, vector<1x64xf32>, vector<1x64xf32>, vector<1x64xf32>, vector<1x64xf32>, vector<1x64xf32>, vector<1x64xf32>, vector<1x64xf32>, vector<1x64xf32>, vector<1x64xf32>, vector<1x64xf32>, vector<1x64xf32>, vector<1x64xf32>, vector<1x64xf32>, vector<1x64xf32>, vector<1x64xf32>, vector<1x64xf32>, vector<1x64xf32>, vector<1x64xf32>, vector<1x64xf32>, vector<1x64xf32>, vector<1x64xf32>, vector<1x64xf32>, vector<1x64xf32>, vector<1x64xf32>, vector<1x64xf32>, vector<1x64xf32>, vector<1x64xf32>, vector<1x64xf32>, vector<1x64xf32>, vector<1x64xf32>, vector<1x64xf32>, vector<1x64xf32>, vector<1x64xf32>, vector<1x64xf32>, vector<1x64xf32>, vector<1x64xf32>, vector<1x64xf32>, vector<1x64xf32>, vector<1x64xf32>, vector<1x64xf32>, vector<1x64xf32>, vector<1x64xf32>, vector<1x64xf32>, vector<1x64xf32>, vector<1x64xf32>, vector<1x64xf32>, vector<1x64xf32>, vector<1x64xf32>, vector<1x64xf32>, vector<1x64xf32>, vector<1x64xf32>, vector<1x64xf32>, vector<1x64xf32>, vector<1x64xf32>, vector<1x64xf32>, vector<1x64xf32>, vector<1x64xf32>, vector<1x64xf32>, vector<1x64xf32>, vector<1x64xf32>, vector<1x64xf32>, vector<1x64xf32>, vector<1x64xf32>, vector<1x64xf32>, vector<1x64xf32>, vector<1x64xf32>, vector<1x64xf32>, vector<1x64xf32>, vector<1x64xf32>, vector<1x64xf32> -> vector<1x8192xf32>
    %slice3A_153 = vector.extract_strided_slice %dot_general3A_100 {offsets = [16, 0], sizes = [16, 8192], strides = [1, 1]} : vector<128x8192xf32> to vector<16x8192xf32>
    %slice3A_154 = vector.extract_strided_slice %dot_general3A_100 {offsets = [80, 0], sizes = [16, 8192], strides = [1, 1]} : vector<128x8192xf32> to vector<16x8192xf32>
    %mul3A_155 = vector.broadcast %tile3A_144 : vector<1x8192xf32> to vector<16x8192xf32>
    %mul3A_156 = arith.mulf %slice3A_153, %mul3A_155 : vector<16x8192xf32>
    %add3A_157 = vector.broadcast %tile3A_152 : vector<1x8192xf32> to vector<16x8192xf32>
    %add3A_158 = arith.addf %add3A_157, %mul3A_156 : vector<16x8192xf32>
    %mul3A_159 = vector.broadcast %tile3A_151 : vector<1x8192xf32> to vector<16x8192xf32>
    %mul3A_160 = arith.mulf %slice3A_154, %mul3A_159 : vector<16x8192xf32>
    %add3A_161 = arith.addf %add3A_158, %mul3A_160 : vector<16x8192xf32>
    %swap3A_162 = arith.constant 16 : index
    %swap3A_163 = arith.constant 0 : index
    %swap3A_164 = vector.load %arg10[%swap3A_162, %swap3A_163] : memref<64x8192xf32, #tpu.memory_space<vmem>>, vector<16x8192xf32>
    tpu.vector_store %arg10[%swap3A_162, %swap3A_163], %add3A_161 {strides = array<i32>} : memref<64x8192xf32, #tpu.memory_space<vmem>>, vector<16x8192xf32>,
    %get3A_165 = arith.constant 0 : index
    %get3A_166 = arith.constant 2 : index
    %get3A_167 = arith.constant 0 : index
    %get3A_168 = vector.load %arg4[%get3A_165, %get3A_166, %get3A_167] : memref<1x4x64xf32, #tpu.memory_space<vmem>>, vector<1x1x64xf32>
    %get3A_169 = vector.shape_cast %get3A_168 : vector<1x1x64xf32> to vector<1x64xf32>
    %mul3A_170 = arith.constant 5.000000e-01 : f32
    %mul3A_171 = vector.broadcast %mul3A_170 : f32 to vector<1x64xf32>
    %mul3A_172 = arith.mulf %mul3A_171, %get3A_169 : vector<1x64xf32>
    %mul3A_173 = arith.constant 5.000000e-01 : f32
    %mul3A_174 = vector.broadcast %mul3A_173 : f32 to vector<1x64xf32>
    %mul3A_175 = arith.mulf %mul3A_174, %get3A_1 : vector<1x64xf32>
    %sub3A_176 = arith.subf %mul3A_172, %mul3A_175 : vector<1x64xf32>
    %tile3A_177 = tpu.concatenate %sub3A_176, %sub3A_176, %sub3A_176, %sub3A_176, %sub3A_176, %sub3A_176, %sub3A_176, %sub3A_176, %sub3A_176, %sub3A_176, %sub3A_176, %sub3A_176, %sub3A_176, %sub3A_176, %sub3A_176, %sub3A_176, %sub3A_176, %sub3A_176, %sub3A_176, %sub3A_176, %sub3A_176, %sub3A_176, %sub3A_176, %sub3A_176, %sub3A_176, %sub3A_176, %sub3A_176, %sub3A_176, %sub3A_176, %sub3A_176, %sub3A_176, %sub3A_176, %sub3A_176, %sub3A_176, %sub3A_176, %sub3A_176, %sub3A_176, %sub3A_176, %sub3A_176, %sub3A_176, %sub3A_176, %sub3A_176, %sub3A_176, %sub3A_176, %sub3A_176, %sub3A_176, %sub3A_176, %sub3A_176, %sub3A_176, %sub3A_176, %sub3A_176, %sub3A_176, %sub3A_176, %sub3A_176, %sub3A_176, %sub3A_176, %sub3A_176, %sub3A_176, %sub3A_176, %sub3A_176, %sub3A_176, %sub3A_176, %sub3A_176, %sub3A_176, %sub3A_176, %sub3A_176, %sub3A_176, %sub3A_176, %sub3A_176, %sub3A_176, %sub3A_176, %sub3A_176, %sub3A_176, %sub3A_176, %sub3A_176, %sub3A_176, %sub3A_176, %sub3A_176, %sub3A_176, %sub3A_176, %sub3A_176, %sub3A_176, %sub3A_176, %sub3A_176, %sub3A_176, %sub3A_176, %sub3A_176, %sub3A_176, %sub3A_176, %sub3A_176, %sub3A_176, %sub3A_176, %sub3A_176, %sub3A_176, %sub3A_176, %sub3A_176, %sub3A_176, %sub3A_176, %sub3A_176, %sub3A_176, %sub3A_176, %sub3A_176, %sub3A_176, %sub3A_176, %sub3A_176, %sub3A_176, %sub3A_176, %sub3A_176, %sub3A_176, %sub3A_176, %sub3A_176, %sub3A_176, %sub3A_176, %sub3A_176, %sub3A_176, %sub3A_176, %sub3A_176, %sub3A_176, %sub3A_176, %sub3A_176, %sub3A_176, %sub3A_176, %sub3A_176, %sub3A_176, %sub3A_176, %sub3A_176, %sub3A_176, %sub3A_176 in 1 : vector<1x64xf32>, vector<1x64xf32>, vector<1x64xf32>, vector<1x64xf32>, vector<1x64xf32>, vector<1x64xf32>, vector<1x64xf32>, vector<1x64xf32>, vector<1x64xf32>, vector<1x64xf32>, vector<1x64xf32>, vector<1x64xf32>, vector<1x64xf32>, vector<1x64xf32>, vector<1x64xf32>, vector<1x64xf32>, vector<1x64xf32>, vector<1x64xf32>, vector<1x64xf32>, vector<1x64xf32>, vector<1x64xf32>, vector<1x64xf32>, vector<1x64xf32>, vector<1x64xf32>, vector<1x64xf32>, vector<1x64xf32>, vector<1x64xf32>, vector<1x64xf32>, vector<1x64xf32>, vector<1x64xf32>, vector<1x64xf32>, vector<1x64xf32>, vector<1x64xf32>, vector<1x64xf32>, vector<1x64xf32>, vector<1x64xf32>, vector<1x64xf32>, vector<1x64xf32>, vector<1x64xf32>, vector<1x64xf32>, vector<1x64xf32>, vector<1x64xf32>, vector<1x64xf32>, vector<1x64xf32>, vector<1x64xf32>, vector<1x64xf32>, vector<1x64xf32>, vector<1x64xf32>, vector<1x64xf32>, vector<1x64xf32>, vector<1x64xf32>, vector<1x64xf32>, vector<1x64xf32>, vector<1x64xf32>, vector<1x64xf32>, vector<1x64xf32>, vector<1x64xf32>, vector<1x64xf32>, vector<1x64xf32>, vector<1x64xf32>, vector<1x64xf32>, vector<1x64xf32>, vector<1x64xf32>, vector<1x64xf32>, vector<1x64xf32>, vector<1x64xf32>, vector<1x64xf32>, vector<1x64xf32>, vector<1x64xf32>, vector<1x64xf32>, vector<1x64xf32>, vector<1x64xf32>, vector<1x64xf32>, vector<1x64xf32>, vector<1x64xf32>, vector<1x64xf32>, vector<1x64xf32>, vector<1x64xf32>, vector<1x64xf32>, vector<1x64xf32>, vector<1x64xf32>, vector<1x64xf32>, vector<1x64xf32>, vector<1x64xf32>, vector<1x64xf32>, vector<1x64xf32>, vector<1x64xf32>, vector<1x64xf32>, vector<1x64xf32>, vector<1x64xf32>, vector<1x64xf32>, vector<1x64xf32>, vector<1x64xf32>, vector<1x64xf32>, vector<1x64xf32>, vector<1x64xf32>, vector<1x64xf32>, vector<1x64xf32>, vector<1x64xf32>, vector<1x64xf32>, vector<1x64xf32>, vector<1x64xf32>, vector<1x64xf32>, vector<1x64xf32>, vector<1x64xf32>, vector<1x64xf32>, vector<1x64xf32>, vector<1x64xf32>, vector<1x64xf32>, vector<1x64xf32>, vector<1x64xf32>, vector<1x64xf32>, vector<1x64xf32>, vector<1x64xf32>, vector<1x64xf32>, vector<1x64xf32>, vector<1x64xf32>, vector<1x64xf32>, vector<1x64xf32>, vector<1x64xf32>, vector<1x64xf32>, vector<1x64xf32>, vector<1x64xf32>, vector<1x64xf32>, vector<1x64xf32>, vector<1x64xf32>, vector<1x64xf32>, vector<1x64xf32> -> vector<1x8192xf32>
    %get3A_178 = arith.constant 0 : index
    %get3A_179 = arith.constant 2 : index
    %get3A_180 = arith.constant 0 : index
    %get3A_181 = vector.load %arg5[%get3A_178, %get3A_179, %get3A_180] : memref<1x4x64xf32, #tpu.memory_space<vmem>>, vector<1x1x64xf32>
    %get3A_182 = vector.shape_cast %get3A_181 : vector<1x1x64xf32> to vector<1x64xf32>
    %sub3A_183 = arith.subf %get3A_182, %get3A_1 : vector<1x64xf32>
    %tile3A_184 = tpu.concatenate %sub3A_183, %sub3A_183, %sub3A_183, %sub3A_183, %sub3A_183, %sub3A_183, %sub3A_183, %sub3A_183, %sub3A_183, %sub3A_183, %sub3A_183, %sub3A_183, %sub3A_183, %sub3A_183, %sub3A_183, %sub3A_183, %sub3A_183, %sub3A_183, %sub3A_183, %sub3A_183, %sub3A_183, %sub3A_183, %sub3A_183, %sub3A_183, %sub3A_183, %sub3A_183, %sub3A_183, %sub3A_183, %sub3A_183, %sub3A_183, %sub3A_183, %sub3A_183, %sub3A_183, %sub3A_183, %sub3A_183, %sub3A_183, %sub3A_183, %sub3A_183, %sub3A_183, %sub3A_183, %sub3A_183, %sub3A_183, %sub3A_183, %sub3A_183, %sub3A_183, %sub3A_183, %sub3A_183, %sub3A_183, %sub3A_183, %sub3A_183, %sub3A_183, %sub3A_183, %sub3A_183, %sub3A_183, %sub3A_183, %sub3A_183, %sub3A_183, %sub3A_183, %sub3A_183, %sub3A_183, %sub3A_183, %sub3A_183, %sub3A_183, %sub3A_183, %sub3A_183, %sub3A_183, %sub3A_183, %sub3A_183, %sub3A_183, %sub3A_183, %sub3A_183, %sub3A_183, %sub3A_183, %sub3A_183, %sub3A_183, %sub3A_183, %sub3A_183, %sub3A_183, %sub3A_183, %sub3A_183, %sub3A_183, %sub3A_183, %sub3A_183, %sub3A_183, %sub3A_183, %sub3A_183, %sub3A_183, %sub3A_183, %sub3A_183, %sub3A_183, %sub3A_183, %sub3A_183, %sub3A_183, %sub3A_183, %sub3A_183, %sub3A_183, %sub3A_183, %sub3A_183, %sub3A_183, %sub3A_183, %sub3A_183, %sub3A_183, %sub3A_183, %sub3A_183, %sub3A_183, %sub3A_183, %sub3A_183, %sub3A_183, %sub3A_183, %sub3A_183, %sub3A_183, %sub3A_183, %sub3A_183, %sub3A_183, %sub3A_183, %sub3A_183, %sub3A_183, %sub3A_183, %sub3A_183, %sub3A_183, %sub3A_183, %sub3A_183, %sub3A_183, %sub3A_183, %sub3A_183, %sub3A_183, %sub3A_183, %sub3A_183 in 1 : vector<1x64xf32>, vector<1x64xf32>, vector<1x64xf32>, vector<1x64xf32>, vector<1x64xf32>, vector<1x64xf32>, vector<1x64xf32>, vector<1x64xf32>, vector<1x64xf32>, vector<1x64xf32>, vector<1x64xf32>, vector<1x64xf32>, vector<1x64xf32>, vector<1x64xf32>, vector<1x64xf32>, vector<1x64xf32>, vector<1x64xf32>, vector<1x64xf32>, vector<1x64xf32>, vector<1x64xf32>, vector<1x64xf32>, vector<1x64xf32>, vector<1x64xf32>, vector<1x64xf32>, vector<1x64xf32>, vector<1x64xf32>, vector<1x64xf32>, vector<1x64xf32>, vector<1x64xf32>, vector<1x64xf32>, vector<1x64xf32>, vector<1x64xf32>, vector<1x64xf32>, vector<1x64xf32>, vector<1x64xf32>, vector<1x64xf32>, vector<1x64xf32>, vector<1x64xf32>, vector<1x64xf32>, vector<1x64xf32>, vector<1x64xf32>, vector<1x64xf32>, vector<1x64xf32>, vector<1x64xf32>, vector<1x64xf32>, vector<1x64xf32>, vector<1x64xf32>, vector<1x64xf32>, vector<1x64xf32>, vector<1x64xf32>, vector<1x64xf32>, vector<1x64xf32>, vector<1x64xf32>, vector<1x64xf32>, vector<1x64xf32>, vector<1x64xf32>, vector<1x64xf32>, vector<1x64xf32>, vector<1x64xf32>, vector<1x64xf32>, vector<1x64xf32>, vector<1x64xf32>, vector<1x64xf32>, vector<1x64xf32>, vector<1x64xf32>, vector<1x64xf32>, vector<1x64xf32>, vector<1x64xf32>, vector<1x64xf32>, vector<1x64xf32>, vector<1x64xf32>, vector<1x64xf32>, vector<1x64xf32>, vector<1x64xf32>, vector<1x64xf32>, vector<1x64xf32>, vector<1x64xf32>, vector<1x64xf32>, vector<1x64xf32>, vector<1x64xf32>, vector<1x64xf32>, vector<1x64xf32>, vector<1x64xf32>, vector<1x64xf32>, vector<1x64xf32>, vector<1x64xf32>, vector<1x64xf32>, vector<1x64xf32>, vector<1x64xf32>, vector<1x64xf32>, vector<1x64xf32>, vector<1x64xf32>, vector<1x64xf32>, vector<1x64xf32>, vector<1x64xf32>, vector<1x64xf32>, vector<1x64xf32>, vector<1x64xf32>, vector<1x64xf32>, vector<1x64xf32>, vector<1x64xf32>, vector<1x64xf32>, vector<1x64xf32>, vector<1x64xf32>, vector<1x64xf32>, vector<1x64xf32>, vector<1x64xf32>, vector<1x64xf32>, vector<1x64xf32>, vector<1x64xf32>, vector<1x64xf32>, vector<1x64xf32>, vector<1x64xf32>, vector<1x64xf32>, vector<1x64xf32>, vector<1x64xf32>, vector<1x64xf32>, vector<1x64xf32>, vector<1x64xf32>, vector<1x64xf32>, vector<1x64xf32>, vector<1x64xf32>, vector<1x64xf32>, vector<1x64xf32>, vector<1x64xf32>, vector<1x64xf32>, vector<1x64xf32>, vector<1x64xf32> -> vector<1x8192xf32>
    %tile3A_185 = tpu.concatenate %get3A_1, %get3A_1, %get3A_1, %get3A_1, %get3A_1, %get3A_1, %get3A_1, %get3A_1, %get3A_1, %get3A_1, %get3A_1, %get3A_1, %get3A_1, %get3A_1, %get3A_1, %get3A_1, %get3A_1, %get3A_1, %get3A_1, %get3A_1, %get3A_1, %get3A_1, %get3A_1, %get3A_1, %get3A_1, %get3A_1, %get3A_1, %get3A_1, %get3A_1, %get3A_1, %get3A_1, %get3A_1, %get3A_1, %get3A_1, %get3A_1, %get3A_1, %get3A_1, %get3A_1, %get3A_1, %get3A_1, %get3A_1, %get3A_1, %get3A_1, %get3A_1, %get3A_1, %get3A_1, %get3A_1, %get3A_1, %get3A_1, %get3A_1, %get3A_1, %get3A_1, %get3A_1, %get3A_1, %get3A_1, %get3A_1, %get3A_1, %get3A_1, %get3A_1, %get3A_1, %get3A_1, %get3A_1, %get3A_1, %get3A_1, %get3A_1, %get3A_1, %get3A_1, %get3A_1, %get3A_1, %get3A_1, %get3A_1, %get3A_1, %get3A_1, %get3A_1, %get3A_1, %get3A_1, %get3A_1, %get3A_1, %get3A_1, %get3A_1, %get3A_1, %get3A_1, %get3A_1, %get3A_1, %get3A_1, %get3A_1, %get3A_1, %get3A_1, %get3A_1, %get3A_1, %get3A_1, %get3A_1, %get3A_1, %get3A_1, %get3A_1, %get3A_1, %get3A_1, %get3A_1, %get3A_1, %get3A_1, %get3A_1, %get3A_1, %get3A_1, %get3A_1, %get3A_1, %get3A_1, %get3A_1, %get3A_1, %get3A_1, %get3A_1, %get3A_1, %get3A_1, %get3A_1, %get3A_1, %get3A_1, %get3A_1, %get3A_1, %get3A_1, %get3A_1, %get3A_1, %get3A_1, %get3A_1, %get3A_1, %get3A_1, %get3A_1, %get3A_1, %get3A_1, %get3A_1 in 1 : vector<1x64xf32>, vector<1x64xf32>, vector<1x64xf32>, vector<1x64xf32>, vector<1x64xf32>, vector<1x64xf32>, vector<1x64xf32>, vector<1x64xf32>, vector<1x64xf32>, vector<1x64xf32>, vector<1x64xf32>, vector<1x64xf32>, vector<1x64xf32>, vector<1x64xf32>, vector<1x64xf32>, vector<1x64xf32>, vector<1x64xf32>, vector<1x64xf32>, vector<1x64xf32>, vector<1x64xf32>, vector<1x64xf32>, vector<1x64xf32>, vector<1x64xf32>, vector<1x64xf32>, vector<1x64xf32>, vector<1x64xf32>, vector<1x64xf32>, vector<1x64xf32>, vector<1x64xf32>, vector<1x64xf32>, vector<1x64xf32>, vector<1x64xf32>, vector<1x64xf32>, vector<1x64xf32>, vector<1x64xf32>, vector<1x64xf32>, vector<1x64xf32>, vector<1x64xf32>, vector<1x64xf32>, vector<1x64xf32>, vector<1x64xf32>, vector<1x64xf32>, vector<1x64xf32>, vector<1x64xf32>, vector<1x64xf32>, vector<1x64xf32>, vector<1x64xf32>, vector<1x64xf32>, vector<1x64xf32>, vector<1x64xf32>, vector<1x64xf32>, vector<1x64xf32>, vector<1x64xf32>, vector<1x64xf32>, vector<1x64xf32>, vector<1x64xf32>, vector<1x64xf32>, vector<1x64xf32>, vector<1x64xf32>, vector<1x64xf32>, vector<1x64xf32>, vector<1x64xf32>, vector<1x64xf32>, vector<1x64xf32>, vector<1x64xf32>, vector<1x64xf32>, vector<1x64xf32>, vector<1x64xf32>, vector<1x64xf32>, vector<1x64xf32>, vector<1x64xf32>, vector<1x64xf32>, vector<1x64xf32>, vector<1x64xf32>, vector<1x64xf32>, vector<1x64xf32>, vector<1x64xf32>, vector<1x64xf32>, vector<1x64xf32>, vector<1x64xf32>, vector<1x64xf32>, vector<1x64xf32>, vector<1x64xf32>, vector<1x64xf32>, vector<1x64xf32>, vector<1x64xf32>, vector<1x64xf32>, vector<1x64xf32>, vector<1x64xf32>, vector<1x64xf32>, vector<1x64xf32>, vector<1x64xf32>, vector<1x64xf32>, vector<1x64xf32>, vector<1x64xf32>, vector<1x64xf32>, vector<1x64xf32>, vector<1x64xf32>, vector<1x64xf32>, vector<1x64xf32>, vector<1x64xf32>, vector<1x64xf32>, vector<1x64xf32>, vector<1x64xf32>, vector<1x64xf32>, vector<1x64xf32>, vector<1x64xf32>, vector<1x64xf32>, vector<1x64xf32>, vector<1x64xf32>, vector<1x64xf32>, vector<1x64xf32>, vector<1x64xf32>, vector<1x64xf32>, vector<1x64xf32>, vector<1x64xf32>, vector<1x64xf32>, vector<1x64xf32>, vector<1x64xf32>, vector<1x64xf32>, vector<1x64xf32>, vector<1x64xf32>, vector<1x64xf32>, vector<1x64xf32>, vector<1x64xf32>, vector<1x64xf32>, vector<1x64xf32>, vector<1x64xf32> -> vector<1x8192xf32>
    %slice3A_186 = vector.extract_strided_slice %dot_general3A_100 {offsets = [32, 0], sizes = [16, 8192], strides = [1, 1]} : vector<128x8192xf32> to vector<16x8192xf32>
    %slice3A_187 = vector.extract_strided_slice %dot_general3A_100 {offsets = [96, 0], sizes = [16, 8192], strides = [1, 1]} : vector<128x8192xf32> to vector<16x8192xf32>
    %mul3A_188 = vector.broadcast %tile3A_177 : vector<1x8192xf32> to vector<16x8192xf32>
    %mul3A_189 = arith.mulf %slice3A_186, %mul3A_188 : vector<16x8192xf32>
    %add3A_190 = vector.broadcast %tile3A_185 : vector<1x8192xf32> to vector<16x8192xf32>
    %add3A_191 = arith.addf %add3A_190, %mul3A_189 : vector<16x8192xf32>
    %mul3A_192 = vector.broadcast %tile3A_184 : vector<1x8192xf32> to vector<16x8192xf32>
    %mul3A_193 = arith.mulf %slice3A_187, %mul3A_192 : vector<16x8192xf32>
    %add3A_194 = arith.addf %add3A_191, %mul3A_193 : vector<16x8192xf32>
    %swap3A_195 = arith.constant 32 : index
    %swap3A_196 = arith.constant 0 : index
    %swap3A_197 = vector.load %arg10[%swap3A_195, %swap3A_196] : memref<64x8192xf32, #tpu.memory_space<vmem>>, vector<16x8192xf32>
    tpu.vector_store %arg10[%swap3A_195, %swap3A_196], %add3A_194 {strides = array<i32>} : memref<64x8192xf32, #tpu.memory_space<vmem>>, vector<16x8192xf32>,
    %get3A_198 = arith.constant 0 : index
    %get3A_199 = arith.constant 3 : index
    %get3A_200 = arith.constant 0 : index
    %get3A_201 = vector.load %arg4[%get3A_198, %get3A_199, %get3A_200] : memref<1x4x64xf32, #tpu.memory_space<vmem>>, vector<1x1x64xf32>
    %get3A_202 = vector.shape_cast %get3A_201 : vector<1x1x64xf32> to vector<1x64xf32>
    %mul3A_203 = arith.constant 5.000000e-01 : f32
    %mul3A_204 = vector.broadcast %mul3A_203 : f32 to vector<1x64xf32>
    %mul3A_205 = arith.mulf %mul3A_204, %get3A_202 : vector<1x64xf32>
    %mul3A_206 = arith.constant 5.000000e-01 : f32
    %mul3A_207 = vector.broadcast %mul3A_206 : f32 to vector<1x64xf32>
    %mul3A_208 = arith.mulf %mul3A_207, %get3A_1 : vector<1x64xf32>
    %sub3A_209 = arith.subf %mul3A_205, %mul3A_208 : vector<1x64xf32>
    %tile3A_210 = tpu.concatenate %sub3A_209, %sub3A_209, %sub3A_209, %sub3A_209, %sub3A_209, %sub3A_209, %sub3A_209, %sub3A_209, %sub3A_209, %sub3A_209, %sub3A_209, %sub3A_209, %sub3A_209, %sub3A_209, %sub3A_209, %sub3A_209, %sub3A_209, %sub3A_209, %sub3A_209, %sub3A_209, %sub3A_209, %sub3A_209, %sub3A_209, %sub3A_209, %sub3A_209, %sub3A_209, %sub3A_209, %sub3A_209, %sub3A_209, %sub3A_209, %sub3A_209, %sub3A_209, %sub3A_209, %sub3A_209, %sub3A_209, %sub3A_209, %sub3A_209, %sub3A_209, %sub3A_209, %sub3A_209, %sub3A_209, %sub3A_209, %sub3A_209, %sub3A_209, %sub3A_209, %sub3A_209, %sub3A_209, %sub3A_209, %sub3A_209, %sub3A_209, %sub3A_209, %sub3A_209, %sub3A_209, %sub3A_209, %sub3A_209, %sub3A_209, %sub3A_209, %sub3A_209, %sub3A_209, %sub3A_209, %sub3A_209, %sub3A_209, %sub3A_209, %sub3A_209, %sub3A_209, %sub3A_209, %sub3A_209, %sub3A_209, %sub3A_209, %sub3A_209, %sub3A_209, %sub3A_209, %sub3A_209, %sub3A_209, %sub3A_209, %sub3A_209, %sub3A_209, %sub3A_209, %sub3A_209, %sub3A_209, %sub3A_209, %sub3A_209, %sub3A_209, %sub3A_209, %sub3A_209, %sub3A_209, %sub3A_209, %sub3A_209, %sub3A_209, %sub3A_209, %sub3A_209, %sub3A_209, %sub3A_209, %sub3A_209, %sub3A_209, %sub3A_209, %sub3A_209, %sub3A_209, %sub3A_209, %sub3A_209, %sub3A_209, %sub3A_209, %sub3A_209, %sub3A_209, %sub3A_209, %sub3A_209, %sub3A_209, %sub3A_209, %sub3A_209, %sub3A_209, %sub3A_209, %sub3A_209, %sub3A_209, %sub3A_209, %sub3A_209, %sub3A_209, %sub3A_209, %sub3A_209, %sub3A_209, %sub3A_209, %sub3A_209, %sub3A_209, %sub3A_209, %sub3A_209, %sub3A_209, %sub3A_209, %sub3A_209, %sub3A_209 in 1 : vector<1x64xf32>, vector<1x64xf32>, vector<1x64xf32>, vector<1x64xf32>, vector<1x64xf32>, vector<1x64xf32>, vector<1x64xf32>, vector<1x64xf32>, vector<1x64xf32>, vector<1x64xf32>, vector<1x64xf32>, vector<1x64xf32>, vector<1x64xf32>, vector<1x64xf32>, vector<1x64xf32>, vector<1x64xf32>, vector<1x64xf32>, vector<1x64xf32>, vector<1x64xf32>, vector<1x64xf32>, vector<1x64xf32>, vector<1x64xf32>, vector<1x64xf32>, vector<1x64xf32>, vector<1x64xf32>, vector<1x64xf32>, vector<1x64xf32>, vector<1x64xf32>, vector<1x64xf32>, vector<1x64xf32>, vector<1x64xf32>, vector<1x64xf32>, vector<1x64xf32>, vector<1x64xf32>, vector<1x64xf32>, vector<1x64xf32>, vector<1x64xf32>, vector<1x64xf32>, vector<1x64xf32>, vector<1x64xf32>, vector<1x64xf32>, vector<1x64xf32>, vector<1x64xf32>, vector<1x64xf32>, vector<1x64xf32>, vector<1x64xf32>, vector<1x64xf32>, vector<1x64xf32>, vector<1x64xf32>, vector<1x64xf32>, vector<1x64xf32>, vector<1x64xf32>, vector<1x64xf32>, vector<1x64xf32>, vector<1x64xf32>, vector<1x64xf32>, vector<1x64xf32>, vector<1x64xf32>, vector<1x64xf32>, vector<1x64xf32>, vector<1x64xf32>, vector<1x64xf32>, vector<1x64xf32>, vector<1x64xf32>, vector<1x64xf32>, vector<1x64xf32>, vector<1x64xf32>, vector<1x64xf32>, vector<1x64xf32>, vector<1x64xf32>, vector<1x64xf32>, vector<1x64xf32>, vector<1x64xf32>, vector<1x64xf32>, vector<1x64xf32>, vector<1x64xf32>, vector<1x64xf32>, vector<1x64xf32>, vector<1x64xf32>, vector<1x64xf32>, vector<1x64xf32>, vector<1x64xf32>, vector<1x64xf32>, vector<1x64xf32>, vector<1x64xf32>, vector<1x64xf32>, vector<1x64xf32>, vector<1x64xf32>, vector<1x64xf32>, vector<1x64xf32>, vector<1x64xf32>, vector<1x64xf32>, vector<1x64xf32>, vector<1x64xf32>, vector<1x64xf32>, vector<1x64xf32>, vector<1x64xf32>, vector<1x64xf32>, vector<1x64xf32>, vector<1x64xf32>, vector<1x64xf32>, vector<1x64xf32>, vector<1x64xf32>, vector<1x64xf32>, vector<1x64xf32>, vector<1x64xf32>, vector<1x64xf32>, vector<1x64xf32>, vector<1x64xf32>, vector<1x64xf32>, vector<1x64xf32>, vector<1x64xf32>, vector<1x64xf32>, vector<1x64xf32>, vector<1x64xf32>, vector<1x64xf32>, vector<1x64xf32>, vector<1x64xf32>, vector<1x64xf32>, vector<1x64xf32>, vector<1x64xf32>, vector<1x64xf32>, vector<1x64xf32>, vector<1x64xf32>, vector<1x64xf32>, vector<1x64xf32>, vector<1x64xf32>, vector<1x64xf32> -> vector<1x8192xf32>
    %get3A_211 = arith.constant 0 : index
    %get3A_212 = arith.constant 3 : index
    %get3A_213 = arith.constant 0 : index
    %get3A_214 = vector.load %arg5[%get3A_211, %get3A_212, %get3A_213] : memref<1x4x64xf32, #tpu.memory_space<vmem>>, vector<1x1x64xf32>
    %get3A_215 = vector.shape_cast %get3A_214 : vector<1x1x64xf32> to vector<1x64xf32>
    %sub3A_216 = arith.subf %get3A_215, %get3A_1 : vector<1x64xf32>
    %tile3A_217 = tpu.concatenate %sub3A_216, %sub3A_216, %sub3A_216, %sub3A_216, %sub3A_216, %sub3A_216, %sub3A_216, %sub3A_216, %sub3A_216, %sub3A_216, %sub3A_216, %sub3A_216, %sub3A_216, %sub3A_216, %sub3A_216, %sub3A_216, %sub3A_216, %sub3A_216, %sub3A_216, %sub3A_216, %sub3A_216, %sub3A_216, %sub3A_216, %sub3A_216, %sub3A_216, %sub3A_216, %sub3A_216, %sub3A_216, %sub3A_216, %sub3A_216, %sub3A_216, %sub3A_216, %sub3A_216, %sub3A_216, %sub3A_216, %sub3A_216, %sub3A_216, %sub3A_216, %sub3A_216, %sub3A_216, %sub3A_216, %sub3A_216, %sub3A_216, %sub3A_216, %sub3A_216, %sub3A_216, %sub3A_216, %sub3A_216, %sub3A_216, %sub3A_216, %sub3A_216, %sub3A_216, %sub3A_216, %sub3A_216, %sub3A_216, %sub3A_216, %sub3A_216, %sub3A_216, %sub3A_216, %sub3A_216, %sub3A_216, %sub3A_216, %sub3A_216, %sub3A_216, %sub3A_216, %sub3A_216, %sub3A_216, %sub3A_216, %sub3A_216, %sub3A_216, %sub3A_216, %sub3A_216, %sub3A_216, %sub3A_216, %sub3A_216, %sub3A_216, %sub3A_216, %sub3A_216, %sub3A_216, %sub3A_216, %sub3A_216, %sub3A_216, %sub3A_216, %sub3A_216, %sub3A_216, %sub3A_216, %sub3A_216, %sub3A_216, %sub3A_216, %sub3A_216, %sub3A_216, %sub3A_216, %sub3A_216, %sub3A_216, %sub3A_216, %sub3A_216, %sub3A_216, %sub3A_216, %sub3A_216, %sub3A_216, %sub3A_216, %sub3A_216, %sub3A_216, %sub3A_216, %sub3A_216, %sub3A_216, %sub3A_216, %sub3A_216, %sub3A_216, %sub3A_216, %sub3A_216, %sub3A_216, %sub3A_216, %sub3A_216, %sub3A_216, %sub3A_216, %sub3A_216, %sub3A_216, %sub3A_216, %sub3A_216, %sub3A_216, %sub3A_216, %sub3A_216, %sub3A_216, %sub3A_216, %sub3A_216, %sub3A_216, %sub3A_216 in 1 : vector<1x64xf32>, vector<1x64xf32>, vector<1x64xf32>, vector<1x64xf32>, vector<1x64xf32>, vector<1x64xf32>, vector<1x64xf32>, vector<1x64xf32>, vector<1x64xf32>, vector<1x64xf32>, vector<1x64xf32>, vector<1x64xf32>, vector<1x64xf32>, vector<1x64xf32>, vector<1x64xf32>, vector<1x64xf32>, vector<1x64xf32>, vector<1x64xf32>, vector<1x64xf32>, vector<1x64xf32>, vector<1x64xf32>, vector<1x64xf32>, vector<1x64xf32>, vector<1x64xf32>, vector<1x64xf32>, vector<1x64xf32>, vector<1x64xf32>, vector<1x64xf32>, vector<1x64xf32>, vector<1x64xf32>, vector<1x64xf32>, vector<1x64xf32>, vector<1x64xf32>, vector<1x64xf32>, vector<1x64xf32>, vector<1x64xf32>, vector<1x64xf32>, vector<1x64xf32>, vector<1x64xf32>, vector<1x64xf32>, vector<1x64xf32>, vector<1x64xf32>, vector<1x64xf32>, vector<1x64xf32>, vector<1x64xf32>, vector<1x64xf32>, vector<1x64xf32>, vector<1x64xf32>, vector<1x64xf32>, vector<1x64xf32>, vector<1x64xf32>, vector<1x64xf32>, vector<1x64xf32>, vector<1x64xf32>, vector<1x64xf32>, vector<1x64xf32>, vector<1x64xf32>, vector<1x64xf32>, vector<1x64xf32>, vector<1x64xf32>, vector<1x64xf32>, vector<1x64xf32>, vector<1x64xf32>, vector<1x64xf32>, vector<1x64xf32>, vector<1x64xf32>, vector<1x64xf32>, vector<1x64xf32>, vector<1x64xf32>, vector<1x64xf32>, vector<1x64xf32>, vector<1x64xf32>, vector<1x64xf32>, vector<1x64xf32>, vector<1x64xf32>, vector<1x64xf32>, vector<1x64xf32>, vector<1x64xf32>, vector<1x64xf32>, vector<1x64xf32>, vector<1x64xf32>, vector<1x64xf32>, vector<1x64xf32>, vector<1x64xf32>, vector<1x64xf32>, vector<1x64xf32>, vector<1x64xf32>, vector<1x64xf32>, vector<1x64xf32>, vector<1x64xf32>, vector<1x64xf32>, vector<1x64xf32>, vector<1x64xf32>, vector<1x64xf32>, vector<1x64xf32>, vector<1x64xf32>, vector<1x64xf32>, vector<1x64xf32>, vector<1x64xf32>, vector<1x64xf32>, vector<1x64xf32>, vector<1x64xf32>, vector<1x64xf32>, vector<1x64xf32>, vector<1x64xf32>, vector<1x64xf32>, vector<1x64xf32>, vector<1x64xf32>, vector<1x64xf32>, vector<1x64xf32>, vector<1x64xf32>, vector<1x64xf32>, vector<1x64xf32>, vector<1x64xf32>, vector<1x64xf32>, vector<1x64xf32>, vector<1x64xf32>, vector<1x64xf32>, vector<1x64xf32>, vector<1x64xf32>, vector<1x64xf32>, vector<1x64xf32>, vector<1x64xf32>, vector<1x64xf32>, vector<1x64xf32>, vector<1x64xf32>, vector<1x64xf32>, vector<1x64xf32> -> vector<1x8192xf32>
    %tile3A_218 = tpu.concatenate %get3A_1, %get3A_1, %get3A_1, %get3A_1, %get3A_1, %get3A_1, %get3A_1, %get3A_1, %get3A_1, %get3A_1, %get3A_1, %get3A_1, %get3A_1, %get3A_1, %get3A_1, %get3A_1, %get3A_1, %get3A_1, %get3A_1, %get3A_1, %get3A_1, %get3A_1, %get3A_1, %get3A_1, %get3A_1, %get3A_1, %get3A_1, %get3A_1, %get3A_1, %get3A_1, %get3A_1, %get3A_1, %get3A_1, %get3A_1, %get3A_1, %get3A_1, %get3A_1, %get3A_1, %get3A_1, %get3A_1, %get3A_1, %get3A_1, %get3A_1, %get3A_1, %get3A_1, %get3A_1, %get3A_1, %get3A_1, %get3A_1, %get3A_1, %get3A_1, %get3A_1, %get3A_1, %get3A_1, %get3A_1, %get3A_1, %get3A_1, %get3A_1, %get3A_1, %get3A_1, %get3A_1, %get3A_1, %get3A_1, %get3A_1, %get3A_1, %get3A_1, %get3A_1, %get3A_1, %get3A_1, %get3A_1, %get3A_1, %get3A_1, %get3A_1, %get3A_1, %get3A_1, %get3A_1, %get3A_1, %get3A_1, %get3A_1, %get3A_1, %get3A_1, %get3A_1, %get3A_1, %get3A_1, %get3A_1, %get3A_1, %get3A_1, %get3A_1, %get3A_1, %get3A_1, %get3A_1, %get3A_1, %get3A_1, %get3A_1, %get3A_1, %get3A_1, %get3A_1, %get3A_1, %get3A_1, %get3A_1, %get3A_1, %get3A_1, %get3A_1, %get3A_1, %get3A_1, %get3A_1, %get3A_1, %get3A_1, %get3A_1, %get3A_1, %get3A_1, %get3A_1, %get3A_1, %get3A_1, %get3A_1, %get3A_1, %get3A_1, %get3A_1, %get3A_1, %get3A_1, %get3A_1, %get3A_1, %get3A_1, %get3A_1, %get3A_1, %get3A_1, %get3A_1, %get3A_1 in 1 : vector<1x64xf32>, vector<1x64xf32>, vector<1x64xf32>, vector<1x64xf32>, vector<1x64xf32>, vector<1x64xf32>, vector<1x64xf32>, vector<1x64xf32>, vector<1x64xf32>, vector<1x64xf32>, vector<1x64xf32>, vector<1x64xf32>, vector<1x64xf32>, vector<1x64xf32>, vector<1x64xf32>, vector<1x64xf32>, vector<1x64xf32>, vector<1x64xf32>, vector<1x64xf32>, vector<1x64xf32>, vector<1x64xf32>, vector<1x64xf32>, vector<1x64xf32>, vector<1x64xf32>, vector<1x64xf32>, vector<1x64xf32>, vector<1x64xf32>, vector<1x64xf32>, vector<1x64xf32>, vector<1x64xf32>, vector<1x64xf32>, vector<1x64xf32>, vector<1x64xf32>, vector<1x64xf32>, vector<1x64xf32>, vector<1x64xf32>, vector<1x64xf32>, vector<1x64xf32>, vector<1x64xf32>, vector<1x64xf32>, vector<1x64xf32>, vector<1x64xf32>, vector<1x64xf32>, vector<1x64xf32>, vector<1x64xf32>, vector<1x64xf32>, vector<1x64xf32>, vector<1x64xf32>, vector<1x64xf32>, vector<1x64xf32>, vector<1x64xf32>, vector<1x64xf32>, vector<1x64xf32>, vector<1x64xf32>, vector<1x64xf32>, vector<1x64xf32>, vector<1x64xf32>, vector<1x64xf32>, vector<1x64xf32>, vector<1x64xf32>, vector<1x64xf32>, vector<1x64xf32>, vector<1x64xf32>, vector<1x64xf32>, vector<1x64xf32>, vector<1x64xf32>, vector<1x64xf32>, vector<1x64xf32>, vector<1x64xf32>, vector<1x64xf32>, vector<1x64xf32>, vector<1x64xf32>, vector<1x64xf32>, vector<1x64xf32>, vector<1x64xf32>, vector<1x64xf32>, vector<1x64xf32>, vector<1x64xf32>, vector<1x64xf32>, vector<1x64xf32>, vector<1x64xf32>, vector<1x64xf32>, vector<1x64xf32>, vector<1x64xf32>, vector<1x64xf32>, vector<1x64xf32>, vector<1x64xf32>, vector<1x64xf32>, vector<1x64xf32>, vector<1x64xf32>, vector<1x64xf32>, vector<1x64xf32>, vector<1x64xf32>, vector<1x64xf32>, vector<1x64xf32>, vector<1x64xf32>, vector<1x64xf32>, vector<1x64xf32>, vector<1x64xf32>, vector<1x64xf32>, vector<1x64xf32>, vector<1x64xf32>, vector<1x64xf32>, vector<1x64xf32>, vector<1x64xf32>, vector<1x64xf32>, vector<1x64xf32>, vector<1x64xf32>, vector<1x64xf32>, vector<1x64xf32>, vector<1x64xf32>, vector<1x64xf32>, vector<1x64xf32>, vector<1x64xf32>, vector<1x64xf32>, vector<1x64xf32>, vector<1x64xf32>, vector<1x64xf32>, vector<1x64xf32>, vector<1x64xf32>, vector<1x64xf32>, vector<1x64xf32>, vector<1x64xf32>, vector<1x64xf32>, vector<1x64xf32>, vector<1x64xf32>, vector<1x64xf32>, vector<1x64xf32> -> vector<1x8192xf32>
    %slice3A_219 = vector.extract_strided_slice %dot_general3A_100 {offsets = [48, 0], sizes = [16, 8192], strides = [1, 1]} : vector<128x8192xf32> to vector<16x8192xf32>
    %slice3A_220 = vector.extract_strided_slice %dot_general3A_100 {offsets = [112, 0], sizes = [16, 8192], strides = [1, 1]} : vector<128x8192xf32> to vector<16x8192xf32>
    %mul3A_221 = vector.broadcast %tile3A_210 : vector<1x8192xf32> to vector<16x8192xf32>
    %mul3A_222 = arith.mulf %slice3A_219, %mul3A_221 : vector<16x8192xf32>
    %add3A_223 = vector.broadcast %tile3A_218 : vector<1x8192xf32> to vector<16x8192xf32>
    %add3A_224 = arith.addf %add3A_223, %mul3A_222 : vector<16x8192xf32>
    %mul3A_225 = vector.broadcast %tile3A_217 : vector<1x8192xf32> to vector<16x8192xf32>
    %mul3A_226 = arith.mulf %slice3A_220, %mul3A_225 : vector<16x8192xf32>
    %add3A_227 = arith.addf %add3A_224, %mul3A_226 : vector<16x8192xf32>
    %swap3A_228 = arith.constant 48 : index
    %swap3A_229 = arith.constant 0 : index
    %swap3A_230 = vector.load %arg10[%swap3A_228, %swap3A_229] : memref<64x8192xf32, #tpu.memory_space<vmem>>, vector<16x8192xf32>
    tpu.vector_store %arg10[%swap3A_228, %swap3A_229], %add3A_227 {strides = array<i32>} : memref<64x8192xf32, #tpu.memory_space<vmem>>, vector<16x8192xf32>,
    %max3A_231 = arith.maximumf %convert_element_type3A_7, %convert_element_type3A_14 : vector<64x128xf32>
    %reduce_sum3A = vector.shape_cast %max3A_231 : vector<64x128xf32> to vector<1x64x128xf32>
    %reduce_sum3A_232 = arith.constant dense<0.000000e+00> : vector<1xf32>
    %reduce_sum3A_233 = vector.multi_reduction <add>, %reduce_sum3A, %reduce_sum3A_232 [1, 2] : vector<1x64x128xf32> to vector<1xf32>
    %reduce_sum3A_234 = vector.shape_cast %reduce_sum3A_233 : vector<1xf32> to vector<1x1x1xf32>
    %reduce_sum3A_235 = vector.extract %reduce_sum3A_234[0, 0, 0] : f32 from vector<1x1x1xf32>
    %sub3A_236 = arith.constant 1.000000e+00 : f32
    %sub3A_237 = vector.broadcast %sub3A_236 : f32 to vector<64x128xf32>
    %sub3A_238 = arith.subf %sub3A_237, %max3A_231 : vector<64x128xf32>
    %mul3A_239 = arith.mulf %concatenate3A, %sub3A_238 : vector<64x128xf32>
    %reduce_sum3A_240 = vector.shape_cast %mul3A_239 : vector<64x128xf32> to vector<1x64x128xf32>
    %reduce_sum3A_241 = arith.constant dense<0.000000e+00> : vector<1xf32>
    %reduce_sum3A_242 = vector.multi_reduction <add>, %reduce_sum3A_240, %reduce_sum3A_241 [1, 2] : vector<1x64x128xf32> to vector<1xf32>
    %reduce_sum3A_243 = vector.shape_cast %reduce_sum3A_242 : vector<1xf32> to vector<1x1x1xf32>
    %reduce_sum3A_244 = vector.extract %reduce_sum3A_243[0, 0, 0] : f32 from vector<1x1x1xf32>
    %add3A_245 = arith.addf %reduce_sum3A_235, %reduce_sum3A_244 : f32
    %reduce_sum3A_246 = vector.shape_cast %convert_element_type3A_7 : vector<64x128xf32> to vector<1x64x128xf32>
    %reduce_sum3A_247 = arith.constant dense<0.000000e+00> : vector<1xf32>
    %reduce_sum3A_248 = vector.multi_reduction <add>, %reduce_sum3A_246, %reduce_sum3A_247 [1, 2] : vector<1x64x128xf32> to vector<1xf32>
    %reduce_sum3A_249 = vector.shape_cast %reduce_sum3A_248 : vector<1xf32> to vector<1x1x1xf32>
    %reduce_sum3A_250 = vector.extract %reduce_sum3A_249[0, 0, 0] : f32 from vector<1x1x1xf32>
    %reduce_sum3A_251 = vector.shape_cast %convert_element_type3A_21 : vector<64x128xf32> to vector<1x64x128xf32>
    %reduce_sum3A_252 = arith.constant dense<0.000000e+00> : vector<1xf32>
    %reduce_sum3A_253 = vector.multi_reduction <add>, %reduce_sum3A_251, %reduce_sum3A_252 [1, 2] : vector<1x64x128xf32> to vector<1xf32>
    %reduce_sum3A_254 = vector.shape_cast %reduce_sum3A_253 : vector<1xf32> to vector<1x1x1xf32>
    %reduce_sum3A_255 = vector.extract %reduce_sum3A_254[0, 0, 0] : f32 from vector<1x1x1xf32>
    %reduce_sum3A_256 = vector.shape_cast %get3A_26 : vector<4x1xf32> to vector<1x4x1xf32>
    %reduce_sum3A_257 = arith.constant dense<0.000000e+00> : vector<1xf32>
    %reduce_sum3A_258 = vector.multi_reduction <add>, %reduce_sum3A_256, %reduce_sum3A_257 [1, 2] : vector<1x4x1xf32> to vector<1xf32>
    %reduce_sum3A_259 = vector.shape_cast %reduce_sum3A_258 : vector<1xf32> to vector<1x1x1xf32>
    %reduce_sum3A_260 = vector.extract %reduce_sum3A_259[0, 0, 0] : f32 from vector<1x1x1xf32>
    %iota3A_261 = tpu.iota {dimensions = array<i32: 1>} : vector<1x128xi32>
    %eq3A_262 = arith.constant 0 : i32
    %eq3A_263 = vector.broadcast %eq3A_262 : i32 to vector<1x128xi32>
    %eq3A_264 = arith.cmpi eq, %iota3A_261, %eq3A_263 : vector<1x128xi32>
    %jit3A_265 = arith.constant 0.000000e+00 : f32
    %broadcast_in_dim3A = vector.broadcast %add3A_245 : f32 to vector<1x128xf32>
    %broadcast_in_dim3A_266 = vector.broadcast %jit3A_265 : f32 to vector<1x128xf32>
    %select_n3A = arith.select %eq3A_264, %broadcast_in_dim3A, %broadcast_in_dim3A_266 : vector<1x128xi1>, vector<1x128xf32>
    %eq3A_267 = arith.constant 2 : i32
    %eq3A_268 = vector.broadcast %eq3A_267 : i32 to vector<1x128xi32>
    %eq3A_269 = arith.cmpi eq, %iota3A_261, %eq3A_268 : vector<1x128xi32>
    %jit3A_270 = arith.constant 0.000000e+00 : f32
    %broadcast_in_dim3A_271 = vector.broadcast %reduce_sum3A_260 : f32 to vector<1x128xf32>
    %broadcast_in_dim3A_272 = vector.broadcast %jit3A_270 : f32 to vector<1x128xf32>
    %select_n3A_273 = arith.select %eq3A_269, %broadcast_in_dim3A_271, %broadcast_in_dim3A_272 : vector<1x128xi1>, vector<1x128xf32>
    %add3A_274 = arith.addf %select_n3A, %select_n3A_273 : vector<1x128xf32>
    %eq3A_275 = arith.constant 3 : i32
    %eq3A_276 = vector.broadcast %eq3A_275 : i32 to vector<1x128xi32>
    %eq3A_277 = arith.cmpi eq, %iota3A_261, %eq3A_276 : vector<1x128xi32>
    %jit3A_278 = arith.constant 0.000000e+00 : f32
    %broadcast_in_dim3A_279 = vector.broadcast %reduce_sum3A_250 : f32 to vector<1x128xf32>
    %broadcast_in_dim3A_280 = vector.broadcast %jit3A_278 : f32 to vector<1x128xf32>
    %select_n3A_281 = arith.select %eq3A_277, %broadcast_in_dim3A_279, %broadcast_in_dim3A_280 : vector<1x128xi1>, vector<1x128xf32>
    %add3A_282 = arith.addf %add3A_274, %select_n3A_281 : vector<1x128xf32>
    %eq3A_283 = arith.constant 4 : i32
    %eq3A_284 = vector.broadcast %eq3A_283 : i32 to vector<1x128xi32>
    %eq3A_285 = arith.cmpi eq, %iota3A_261, %eq3A_284 : vector<1x128xi32>
    %jit3A_286 = arith.constant 0.000000e+00 : f32
    %broadcast_in_dim3A_287 = vector.broadcast %reduce_sum3A_255 : f32 to vector<1x128xf32>
    %broadcast_in_dim3A_288 = vector.broadcast %jit3A_286 : f32 to vector<1x128xf32>
    %select_n3A_289 = arith.select %eq3A_285, %broadcast_in_dim3A_287, %broadcast_in_dim3A_288 : vector<1x128xi1>, vector<1x128xf32>
    %add3A_290 = arith.addf %add3A_282, %select_n3A_289 : vector<1x128xf32>
    %eq3A_291 = arith.constant 0 : i32
    %eq3A_292 = arith.cmpi eq, %arg0, %eq3A_291 : i32
    %convert_element_type3A_293 = arith.extui %eq3A_292 : i1 to i32
    %cond3A = arith.constant 0 : i32
    %cond3A_294 = arith.cmpi ne, %convert_element_type3A_293, %cond3A : i32
    scf.if %cond3A_294 {
      %broadcast_in_dim3A_307 = arith.constant 0.000000e+00 : f32
      %broadcast_in_dim3A_308 = vector.broadcast %broadcast_in_dim3A_307 : f32 to vector<1x128xf32>
      %swap3A_309 = arith.constant 0 : index
      %swap3A_310 = arith.constant 0 : index
      %swap3A_311 = vector.load %arg11[%swap3A_309, %swap3A_310] : memref<1x128xf32, #tpu.memory_space<vmem>>, vector<1x128xf32>
      tpu.vector_store %arg11[%swap3A_309, %swap3A_310], %broadcast_in_dim3A_308 {strides = array<i32>} : memref<1x128xf32, #tpu.memory_space<vmem>>, vector<1x128xf32>,
    } else {
    }
    %get3A_295 = arith.constant 0 : index
    %get3A_296 = arith.constant 0 : index
    %get3A_297 = vector.load %arg11[%get3A_295, %get3A_296] : memref<1x128xf32, #tpu.memory_space<vmem>>, vector<1x128xf32>
    %add3A_298 = arith.addf %get3A_297, %add3A_290 : vector<1x128xf32>
    %swap3A_299 = arith.constant 0 : index
    %swap3A_300 = arith.constant 0 : index
    %swap3A_301 = vector.load %arg11[%swap3A_299, %swap3A_300] : memref<1x128xf32, #tpu.memory_space<vmem>>, vector<1x128xf32>
    tpu.vector_store %arg11[%swap3A_299, %swap3A_300], %add3A_298 {strides = array<i32>} : memref<1x128xf32, #tpu.memory_space<vmem>>, vector<1x128xf32>,
    %eq3A_302 = arith.constant 63 : i32
    %eq3A_303 = arith.cmpi eq, %arg0, %eq3A_302 : i32
    %convert_element_type3A_304 = arith.extui %eq3A_303 : i1 to i32
    %cond3A_305 = arith.constant 0 : i32
    %cond3A_306 = arith.cmpi ne, %convert_element_type3A_304, %cond3A_305 : i32
    scf.if %cond3A_306 {
      %eq3A_307 = arith.constant 0 : i32
      %eq3A_308 = vector.broadcast %eq3A_307 : i32 to vector<1x128xi32>
      %eq3A_309 = arith.cmpi eq, %iota3A_261, %eq3A_308 : vector<1x128xi32>
      %jit3A_310 = arith.constant 1.90734863E-6 : f32
      %jit3A_311 = arith.constant 0.000000e+00 : f32
      %broadcast_in_dim3A_312 = vector.broadcast %jit3A_310 : f32 to vector<1x128xf32>
      %broadcast_in_dim3A_313 = vector.broadcast %jit3A_311 : f32 to vector<1x128xf32>
      %select_n3A_314 = arith.select %eq3A_309, %broadcast_in_dim3A_312, %broadcast_in_dim3A_313 : vector<1x128xi1>, vector<1x128xf32>
      %eq3A_315 = arith.constant 2 : i32
      %eq3A_316 = vector.broadcast %eq3A_315 : i32 to vector<1x128xi32>
      %eq3A_317 = arith.cmpi eq, %iota3A_261, %eq3A_316 : vector<1x128xi32>
      %jit3A_318 = arith.constant 3.906250e-03 : f32
      %jit3A_319 = arith.constant 0.000000e+00 : f32
      %broadcast_in_dim3A_320 = vector.broadcast %jit3A_318 : f32 to vector<1x128xf32>
      %broadcast_in_dim3A_321 = vector.broadcast %jit3A_319 : f32 to vector<1x128xf32>
      %select_n3A_322 = arith.select %eq3A_317, %broadcast_in_dim3A_320, %broadcast_in_dim3A_321 : vector<1x128xi1>, vector<1x128xf32>
      %add3A_323 = arith.addf %select_n3A_314, %select_n3A_322 : vector<1x128xf32>
      %eq3A_324 = arith.constant 3 : i32
      %eq3A_325 = vector.broadcast %eq3A_324 : i32 to vector<1x128xi32>
      %eq3A_326 = arith.cmpi eq, %iota3A_261, %eq3A_325 : vector<1x128xi32>
      %jit3A_327 = arith.constant 1.90734863E-6 : f32
      %jit3A_328 = arith.constant 0.000000e+00 : f32
      %broadcast_in_dim3A_329 = vector.broadcast %jit3A_327 : f32 to vector<1x128xf32>
      %broadcast_in_dim3A_330 = vector.broadcast %jit3A_328 : f32 to vector<1x128xf32>
      %select_n3A_331 = arith.select %eq3A_326, %broadcast_in_dim3A_329, %broadcast_in_dim3A_330 : vector<1x128xi1>, vector<1x128xf32>
      %add3A_332 = arith.addf %add3A_323, %select_n3A_331 : vector<1x128xf32>
      %eq3A_333 = arith.constant 4 : i32
      %eq3A_334 = vector.broadcast %eq3A_333 : i32 to vector<1x128xi32>
      %eq3A_335 = arith.cmpi eq, %iota3A_261, %eq3A_334 : vector<1x128xi32>
      %jit3A_336 = arith.constant 1.90734863E-6 : f32
      %jit3A_337 = arith.constant 0.000000e+00 : f32
      %broadcast_in_dim3A_338 = vector.broadcast %jit3A_336 : f32 to vector<1x128xf32>
      %broadcast_in_dim3A_339 = vector.broadcast %jit3A_337 : f32 to vector<1x128xf32>
      %select_n3A_340 = arith.select %eq3A_335, %broadcast_in_dim3A_338, %broadcast_in_dim3A_339 : vector<1x128xi1>, vector<1x128xf32>
      %add3A_341 = arith.addf %add3A_332, %select_n3A_340 : vector<1x128xf32>
      %get3A_342 = arith.constant 0 : index
      %get3A_343 = arith.constant 0 : index
      %get3A_344 = vector.load %arg11[%get3A_342, %get3A_343] : memref<1x128xf32, #tpu.memory_space<vmem>>, vector<1x128xf32>
      %mul3A_345 = arith.mulf %get3A_344, %add3A_341 : vector<1x128xf32>
      %swap3A_346 = arith.constant 0 : index
      %swap3A_347 = arith.constant 0 : index
      %swap3A_348 = vector.load %arg11[%swap3A_346, %swap3A_347] : memref<1x128xf32, #tpu.memory_space<vmem>>, vector<1x128xf32>
      tpu.vector_store %arg11[%swap3A_346, %swap3A_347], %mul3A_345 {strides = array<i32>} : memref<1x128xf32, #tpu.memory_space<vmem>>, vector<1x128xf32>,
    } else {
    }
    return
  }
  func.func @transform_0(%arg0: i32) -> (i32, i32) {
    %c0_i32 = arith.constant 0 : i32
    %c0_i32_0 = arith.constant 0 : i32
    return %arg0, %c0_i32 : i32, i32
  }
  func.func @transform_1(%arg0: i32) -> (i32, i32) {
    %c0_i32 = arith.constant 0 : i32
    %c0_i32_0 = arith.constant 0 : i32
    return %arg0, %c0_i32 : i32, i32
  }
  func.func @transform_2(%arg0: i32) -> (i32, i32) {
    %c0_i32 = arith.constant 0 : i32
    %c0_i32_0 = arith.constant 0 : i32
    return %arg0, %c0_i32 : i32, i32
  }
  func.func @transform_3(%arg0: i32) -> (i32, i32, i32) {
    %c0_i32 = arith.constant 0 : i32
    %c0_i32_0 = arith.constant 0 : i32
    %c0_i32_1 = arith.constant 0 : i32
    return %arg0, %c0_i32, %c0_i32_0 : i32, i32, i32
  }
  func.func @transform_4(%arg0: i32) -> (i32, i32, i32) {
    %c0_i32 = arith.constant 0 : i32
    %c0_i32_0 = arith.constant 0 : i32
    %c0_i32_1 = arith.constant 0 : i32
    return %arg0, %c0_i32, %c0_i32_0 : i32, i32, i32
  }
  func.func @transform_5(%arg0: i32) -> (i32, i32) {
    %c0_i32 = arith.constant 0 : i32
    %c0_i32_0 = arith.constant 0 : i32
    %c0_i32_1 = arith.constant 0 : i32
    return %c0_i32, %c0_i32_0 : i32, i32
  }
  func.func @transform_6(%arg0: i32) -> (i32, i32, i32) {
    %c0_i32 = arith.constant 0 : i32
    %c0_i32_0 = arith.constant 0 : i32
    %c0_i32_1 = arith.constant 0 : i32
    return %arg0, %c0_i32, %c0_i32_0 : i32, i32, i32
  }
  func.func @transform_7(%arg0: i32) -> (i32, i32, i32) {
    %c0_i32 = arith.constant 0 : i32
    %c0_i32_0 = arith.constant 0 : i32
    %c0_i32_1 = arith.constant 0 : i32
    return %arg0, %c0_i32, %c0_i32_0 : i32, i32, i32
  }
  func.func @transform_8(%arg0: i32) -> (i32, i32) {
    %c0_i32 = arith.constant 0 : i32
    %c0_i32_0 = arith.constant 0 : i32
    %c0_i32_1 = arith.constant 0 : i32
    return %c0_i32, %c0_i32_0 : i32, i32
  }
  func.func @transform_9(%arg0: i32) -> (i32, i32) {
    %c0_i32 = arith.constant 0 : i32
    %c0_i32_0 = arith.constant 0 : i32
    return %arg0, %c0_i32 : i32, i32
  }
  func.func @transform_10(%arg0: i32) -> (i32, i32) {
    %c0_i32 = arith.constant 0 : i32
    %c0_i32_0 = arith.constant 0 : i32
    %c0_i32_1 = arith.constant 0 : i32
    return %c0_i32, %c0_i32_0 : i32, i32
  }
}

</mosaic_0001>

<sc_bundles>
// kernel: sparse-core-data-format-call.cloned.1.call-start
scs
called_computation_lowered:
.L_overlay_start_0:
0x0: {  	s2 =	sld [smem:$0x3FD9]  }
0x1: {  	s3 =	sld [smem:$0x3FFE];
	_ =	sdelay $0x1  }
0x2: {  	s1 =	srdreg.scid  }
0x3: {  	s0 =	sand.u32 $0x1, s1  }
0x4: {  	s15 =	sshll.u32 s0, $0xA;
	s2 =	sadd.s32 s3, s2  }
0x5: {  	s2 =	sadd.s32 s2, s15  }
0x6: {  	[smem:$0x3FC0] =	sst s2  }
0x7: {  	_ = 	snop  }
0x8: {  	s2 =	sld [smem:$0x3FD0];
	_ =	sdelay $0x2  }
0x9: {  	s16 =	simm.s32 $0xA;
	s4 =	simm.s32 $0x10  }
0xa: {  	[smem:s4], [sflag:s16] =	dma.local [hbm:s2], $0x1  }
0xb: {  	_ =	swait.eq [sflag:s16], $0x1  }
0xc: {  	[sflag:s16] =	ssyncset.done $0x0  }
0xd: {  	[sflag:s16] =	ssyncadd.s32 $0xFFFFFFFF  }
0xe: {  	s17 =	sld [smem:$0x10];
	(tm) =	ssettm $0x1  }
0xf: {  	s18 =	sld [smem:$0x3FFB];
	_ =	sdelay $0x3  }
0x10: {  	_ =	strace s18  }
0x11: {  	s3 =	sld [smem:$0x3FFC];
	_ =	sdelay $0x3  }
0x12: {  	_ =	strace s3  }
0x13: {  	s3 =	sld [smem:$0x3FFD];
	_ =	sdelay $0x3  }
0x14: {  	_ =	strace s3  }
0x15: {  	_ =	strace $0x8FFFFFFF  }
0x16: {  	s19 =	sld [smem:$0x3FDB];
	_ =	sdelay $0x1  }
0x17: {  	s20 =	simm.s32 $_scs_section_size  }
0x18: {  	s5 =	simm.s32 $_size__tile_overlayer_lowered;
	s6 =	simm.s32 $_tile_overlayer_lowered  }
0x19: {  	s23 =	simm.s32 $0x1BFF;
	s22 =	sshll.u32 s6, $0x1;
	s3 =	sadd.s32 s20, s19  }
0x1a: {  	s7 =	simm.s32 $0x0;
	s21 =	sshll.u32 s5, $0x1;
	s5 =	sadd.s32 s22, s3  }
0x1b: {  	[timem:s7], [sflag:s23] =	dma.local [hbm:s5], s21  }
0x1c: {  	_ =	swait.ge [sflag:s23], s21  }
0x1d: {  	s4 =	ssub.s32 $0x0, s21;
	[sflag:s23] =	ssyncset.done $0x0  }
0x1e: {  	[sflag:s23] =	ssyncadd.s32 s4;
	_ =	sdelay $0x1  }
0x1f: {  	s24 =	simm.s32 $0x1B8B  }
0x20: {  	_ =	swait.ge [sflag:s24], $0x1  }
0x21: {  	[sflag:s24] =	ssyncset.done $0x0  }
0x22: {  	s26 =	simm.s32 $0x1B8E;
	s25 =	sld [smem:$0x3FFE];
	[sflag:s24] =	ssyncadd.s32 $0xFFFFFFFF  }
0x23: {  	s27 =	simm.s32 $execute0_lowered;
	[smem:$0x3FD2] =	sst s26  }
0x24: {  	s5 =	sshll.u32 s27, $0x1;
	_ =	strace $0x80000046;
	[dreg:$0x1] =	wrdreg $0xFFFFFFFF  }
0x25: {  	s28 =	simm.s32 $_size_execute0_lowered;
	s3 =	sadd.s32 s3, s5;
	[dreg:$0x0] =	wrdreg $0x0  }
0x26: {  	s5 =	sshll.u32 s28, $0x1;
	[dreg:$0x2] =	wrdreg s3  }
0x27: {  	[dreg:$0x3] =	wrdreg s5  }
0x28: {  	[dreg:$0x4] =	wrdreg $0xC0  }
0x29: {  	_ =	task [dreg:s7], $0x5FFFF  }
0x2a: {  	[dreg:$0x1] =	wrdreg $0xFFFFFFFF  }
0x2b: {  	[dreg:$0x0] =	wrdreg $0x60  }
0x2c: {  	[dreg:$0x2] =	wrdreg s25  }
0x2d: {  	[dreg:$0x3] =	wrdreg s17  }
0x2e: {  	[dreg:$0x4] =	wrdreg $0x9  }
0x2f: {  	_ =	task.clear_ibuf [dreg:s7], $0x5FFFF;
	_ =	strace $0x90000046  }
0x30: {  	s29 =	simm.s32 $0x9;
	_ =	strace $0x80000048  }
0x31: {  	_ =	swait.ge [sflag:s29], $0x1  }
0x32: {  	[sflag:s29] =	ssyncadd.s32 $0xFFFFFFFF  }
0x33: {  	_ =	strace $0x90000048  }
0x34: {  	_ =	sfence  }
0x35: {  	s30 =	sld [smem:$0x0];
	_ =	sdelay $0x2  }
0x36: {  	s31 =	sshll.u32 s1, $0xD;
	s1 =	sshrl.u32 s1, $0x2  }
0x37: {  	s3 =	sand.u32 $0x4000, s31;
	s1 =	sadd.s32 s1, s30  }
0x38: {  	s0 =	sor.u32 s3, s0;
	s1 =	sshll.u32 s1, $0x11  }
0x39: {  	s0 =	sor.u32 s1, s0  }
0x3a: {  	s0 =	sadd.s32 $0x8F2B, s0  }
0x3b: {  	[sflag:s0] =	ssyncadd.remote.s32 $0x1  }
0x3c: {  	_ =	sfence.sel $0xFFFF  }
0x3d: {  	[dreg:$0x0] =	wrdreg $0xFFFFFFFF;
	(pc) =	sbr.abs _section_cstart, $3  }
0x3e: {  	[dreg:$0x1] =	wrdreg $0xFFFFFFFF  }
0x3f: {  	_ =	task.clear_ibuf [dreg:s7], $0x2FFFF;
	_ =	strace $0x9FFFFFFF  }
0x40: {  	(tm) =	ssettm $0x7FFFFFFF  }
0x41: {  	_ =	shalt  }
tec
execute0_lowered:
.L_overlay_start_1:
0x0: {  	(tag) =	ssettag $0x1  }
0x1: {  	s0 =	srdreg.scid  }
0x2: {  	s7 =	rddreg [dreg:$0x0];
	s1 =	sshll.u32 s0, $0x4  }
0x3: {  	s3 =	rddreg [dreg:$0x1];
	s0 =	stileid.u32;
	s1 =	sand.u32 $0x10, s1  }
0x4: {  	s6 =	simm.s32 $0x1;
	s31 =	simm.s32 $0x2;
	s1 =	sor.u32 s0, s1  }
0x5: {  	s13 =	simm.s32 $0x0;
	s9 =	simm.s32 $0x4000;
	s2 =	sshll.u32 s1, $0x1  }
0x6: {  	s14 =	simm.s32 $0x0;
	s10 =	simm.s32 $0x0;
	s4 =	ssub.s32 $0x100, s2  }
0x7: {  	s12 =	simm.s32 $0x0;
	s1 =	rddreg [dreg:$0x2];
	s5 =	sand.u32 $0x3E, s4  }
.Ltmp0:
0x8: {  	_ =	strace $0x80000047;
	p0 =	sne.s32 s5, $0x0;
	(pc) =	sbr.rel .LBB1_1-.Ltmp0, $4  }
0x9: {  	s11 =	smov.u32 s2;
	s8 =	sshrl.u32 s4, $0x6;
	s6 =	simm.s32 @!p0 $0x0  }
0xa: {  	s4 =	sadd.s32 $0x1C00, s7;
	s5 =	simm.s32 $0x1;
	s6 =	sadd.s32 s6, s8  }
0xb: {  	s7 =	sadd.s32 $0x9C00, s7;
	[sflag:s5] =	ssyncpa.u1 $0x0;
	s6 =	sshll.u32 s6, $0x4  }
0xc: {  	p0 =	por $0x0, $0x0;
	[sflag:s31] =	ssyncpa.u1 $0x0;
	s8 =	sor.u32 $0x1, s6  }
.LBB1_7:
0xd: {  	s15 =	sadd.s32 $0x80, s10  }
0xe: {  	s13 =	sadd.s32 $0x40, s11;
	s17 =	smov.u32 s11;
	p2 =	sgt.s32 s15, $0x7FF  }
0xf: {  	s17 =	smov.u32 @p2 s13  }
0x10: {  	s15 =	simm.s32 @p2 $0x0;
	p2 =	sgt.s32 s17, $0xFF  }
0x11: {  	s17 =	smov.u32 @p2 s2;
	p2 =	sne.s32 s12, s8  }
.Ltmp1:
0x12: {  	p1 =	slt.u32 s12, $0x2;
	(pc) =	sbr.rel @!p2 .LBB1_8-.Ltmp1, $4  }
0x13: {  	s16 =	simm.s32 @!p1 $0x2  }
0x14: {  	s14 =	smov.u32 s11;
	p0 =	por !p0, !p0;
	_ =	swait.ge @!p1 [sflag:s16], $0x4000  }
0x15: {  	s13 =	smov.u32 s10;
	[sflag:s16] =	ssyncset.done @!p1 $0x0;
	s10 =	smov.u32 s15  }
0x16: {  	s12 =	sadd.s32 $0x1, s12;
	[sflag:s16] =	ssyncadd.s32 @!p1 $0xFFFFC000;
	s11 =	smov.u32 s17  }
.LBB1_1:
0x17: {  	p1 =	sge.u32 s12, s6  }
0x18: {  	s15 =	sxor.u32 @!p1 $0xFFFFFFFF, s12;
	s16 =	sshll.u32 @!p1 s11, $0xF  }
0x19: {  	s17 =	sshll.u32 @!p1 s10, $0x4;
	s19 =	simm.s32 @!p1 $0x40;
	s20 =	simm.s32 @!p1 $0x80  }
0x1a: {  	s15 =	sshll.u32 @!p1 s15, $0xE;
	s17 =	sand.u32 @!p1 $0x7FF0, s17;
	s18 =	sadd.s32 @!p1 s4, s16  }
0x1b: {  	s16 =	sadd.s32 @!p1 s16, s7;
	s15 =	sand.u32 @!p1 $0x4000, s15;
	s18 =	sadd.s32 @!p1 s17, s18  }
0x1c: {  	[tilespmem:s15], [sflag:$0x1] =	stream.strided.gather @!p1 [hbm4b:s18+s19], $0x2000, s20, s19, $0x38;
	[tilespmem:$0x10100] =	vst v63  }
0x1d: {  	s31 =	sadd.s32 $0xFFFFFFFF, s12;
	s16 =	sadd.s32 @!p1 s17, s16;
	s15 =	sor.u32 @!p1 $0x2000, s15  }
0x1e: {  	[tilespmem:s15], [sflag:$0x1] =	stream.strided.gather @!p1 [hbm4b:s16+s19], $0x2000, s20, s19, $0x38;
	[tilespmem:$0x10100] =	vst v63  }
0x1f: {  	p1 =	sge.u32 s31, s6  }
.Ltmp2:
0x20: {  	_ = 	snop;
	(pc) =	sbr.rel @p1 .LBB1_7-.Ltmp2, $1  }
0x21: {  	_ =	sdelay $0x3  }
0x22: {  	s15 =	simm.s32 $0x1;
	s17 =	sand.u32 $0x1, s12  }
0x23: {  	_ =	swait.ge [sflag:s5], $0x4000;
	s15 =	simm.s32 @!p0 $0x0;
	s17 =	smul.u32 $0x10200, s17  }
0x24: {  	p2 =	por $0x1, $0x1;
	[sflag:s5] =	ssyncset.done $0x0;
	s16 =	smul.u32 $0x10200, s15  }
0x25: {  	s18 =	sshll.u32 s15, $0x10;
	[sflag:s5] =	ssyncadd.s32 $0xFFFFC000;
	s30 =	sshrl.u32 s17, $0x2  }
0x26: {  	s31 =	sshrl.u32 s18, $0x2;
	s18 =	simm.s32 $0x0;
	s16 =	sshrl.u32 s16, $0x2  }
0x27: {  	s15 =	sor.u32 $0x8000, s30;
	s17 =	sadd.s32 $0x20, s31;
	s16 =	sor.u32 $0x8000, s16  }
.LBB1_3:
0x28: {  	s19 =	sshll.u32 s18, $0xD  }
0x29: {  	s19 =	sand.u32 $0x3FFFE000, s19  }
0x2a: {  	s21 =	sadd.s32 s19, s17  }
0x2b: {  	s31 =	smul.u32 $0x8100, s18;
	v3 =	vld [tilespmem:s21+$0x10]  }
0x2c: {  	v1 =	vld [tilespmem:s21+$0xFFFFFFF0]  }
0x2d: {  	s18 =	sshra.s32 s31, $0x2;
	v0 =	vld [tilespmem:s21+$0x0]  }
0x2e: {  	s18 =	sadd.s32 s18, s16;
	v2 =	vld [tilespmem:s21+$0xFFFFFFE0]  }
0x2f: {  	s19 =	sadd.s32 $0x0, s18  }
0x30: {  	p1 =	por p2, p2;
	s20 =	simm.s32 $0x4;
	s21 =	sadd.s32 $0x40, s21;
	[tilespmem:s19+$0x1830 ss:$0x81] =	vst.msk $0xffff, v3  }
.LBB1_4:
0x31: {  	v3 =	vld [tilespmem:s21+$0x10];
	p2 =	sne.s32 s20, $0x1FC;
	[tilespmem:s19+$0x810 ss:$0x81] =	vst.msk $0xffff, v1;
	s22 =	smov.u32 s20;
	s20 =	sadd.s32 $0x4, s20  }
.Ltmp3:
0x32: {  	v1 =	vld [tilespmem:s21+$0xFFFFFFF0];
	[tilespmem:s19+$0x1020 ss:$0x81] =	vst.msk $0xffff, v0;
	(pc) =	sbr.rel @p2 .LBB1_4-.Ltmp3, $4  }
0x33: {  	v0 =	vld [tilespmem:s21+$0x0];
	[tilespmem:s19+$0x0 ss:$0x81] =	vst.msk $0xffff, v2  }
0x34: {  	s19 =	sshra.s32 s22, $0x2;
	v2 =	vld [tilespmem:s21+$0xFFFFFFE0]  }
0x35: {  	s19 =	sadd.s32 s19, s18  }
0x36: {  	s21 =	sadd.s32 $0x40, s21;
	[tilespmem:s19+$0x1830 ss:$0x81] =	vst.msk $0xffff, v3  }
.Ltmp4:
0x37: {  	(pc) =	sbr.rel @p1 .LBB1_3-.Ltmp4, $4  }
0x38: {  	_ = 	snop  }
0x39: {  	[tilespmem:s19+$0x810 ss:$0x81] =	vst.msk $0xffff, v1  }
0x3a: {  	[tilespmem:s19+$0x1020 ss:$0x81] =	vst.msk $0xffff, v0  }
0x3b: {  	s18 =	simm.s32 $0x1;
	p2 =	por $0x0, $0x0;
	[tilespmem:s19+$0x0 ss:$0x81] =	vst.msk $0xffff, v2  }
0x3c: {  	s16 =	sshll.u32 s13, $0x3;
	s17 =	sand.u32 $0x78, s13;
	s14 =	sshll.u32 s14, $0xE  }
.Ltmp5:
0x3d: {  	s30 =	sand.u32 $0x3F00, s13;
	s16 =	sand.u32 $0x400, s16;
	(pc) =	sbr.rel .LBB1_7-.Ltmp5, $4  }
0x3e: {  	s31 =	sand.u32 $0x7, s13;
	s14 =	sadd.s32 s3, s14;
	s16 =	sor.u32 s17, s16  }
0x3f: {  	s13 =	sshll.u32 s31, $0x12;
	s14 =	sadd.s32 s30, s14;
	s16 =	sshrl.u32 s16, $0x3  }
0x40: {  	s13 =	sor.u32 $0x400, s13;
	s14 =	sadd.s32 s16, s14  }
0x41: {  	[hbm4b:s14+s13] =	stream.strided.scatter [tilespmem:s15], [sflag:$0x2], $0x4000, s9, s13, $0x20;
	[tilespmem:$0x10100] =	vst v63  }
.LBB1_8:
0x42: {  	_ =	sfence.sel $0x180000  }
0x43: {  	s2 =	simm.s32 $0x1;
	[bflag:$0x0] =	sbarrier.arrive $0xFFFF  }
0x44: {  	s31 =	simm.s32 $0x2;
	[sflag:s2] =	ssyncpa.u1 $0x1  }
0x45: {  	[sflag:s31] =	ssyncpa.u1 $0x1  }
0x46: {  	p0 =	sne.s32 s0, $0x0;
	_ =	strace $0x90000047  }
0x47: {  	s0 =	sadd.s32 @!p0 $0x100000, s1;
	[bflag:$0x2] =	sbarrier.arrive $0xFFFF  }
0x48: {  	[sflag:s0] =	ssyncadd.tile.s32 @!p0 $0x1;
	_ =	shalt  }
.Lfunc_end1:
_tile_overlayer_lowered:
.L_overlay_start_2:
0x49: {  	(tag) =	ssettag $0x2  }
0x4a: {  	s0 =	rddreg [dreg:$0x0];
	s2 =	stileid.u32  }
0x4b: {  	s1 =	rddreg [dreg:$0x1];
	p0 =	sne.s32 s2, $0x0  }
0x4c: {  	s3 =	rddreg [dreg:$0x2];
	[bflag:$0x3] =	sbarrier.arrive $0xFFFF;
	s2 =	simm.s32 @!p0 $0x1C01  }
0x4d: {  	[timem:s3], [sflag:s2] =	dma.local @!p0 [hbm:s0], s1  }
0x4e: {  	s0 =	simm.s32 @!p0 $0x1  }
0x4f: {  	_ =	swait.ge @!p0 [sflag:s0], s1  }
0x50: {  	s1 =	ssub.s32 @!p0 $0x0, s1;
	[sflag:s0] =	ssyncset.done @!p0 $0x0  }
0x51: {  	[sflag:s0] =	ssyncadd.s32 @!p0 s1  }
0x52: {  	[bflag:$0x3] =	sbarrier.arrive $0xFFFF  }
0x53: {  	_ =	shalt  }

</sc_bundles>
